<compile_context>
chip_gen: v7x
topology: tpu7x:2x2x1
jax: 0.10.2.dev20260603
libtpu: 0.0.44.dev20260713+nightly
codegen_flags: <defaults>
</compile_context>

<pallas_src>
import jax
import jax.numpy as jnp
from jax import lax
from jax.experimental import pallas as pl
from jax.experimental.pallas import tpu as pltpu
from jax.experimental.pallas import tpu_sc as plsc

T = 2048
D = 2048
H = 16
DH = D // H
K_KEEP = 128
SCALE = 1.0 / (DH ** 0.5)
BN = 512


def _qk_body(x_ref, wq_ref, wk_ref, o16_ref):
    j = pl.program_id(0)

    def emit(w_ref):
        r = jnp.dot(x_ref[...], w_ref[...].astype(jnp.bfloat16),
                    preferred_element_type=jnp.float32)
        o16_ref[...] = r.astype(jnp.bfloat16)

    @pl.when(j < 4)
    def _q():
        emit(wq_ref)

    @pl.when(j >= 4)
    def _k():
        emit(wk_ref)


def _qk_matmul(x_bf16, wq, wk):
    return pl.pallas_call(
        _qk_body,
        grid=(8,),
        in_specs=[
            pl.BlockSpec((T, D), lambda j: (0, 0)),
            pl.BlockSpec((D, BN), lambda j: (0, jnp.minimum(j, 3))),
            pl.BlockSpec((D, BN), lambda j: (0, jnp.clip(j - 4, 0, 3))),
        ],
        out_specs=pl.BlockSpec((T, BN), lambda j: (j // 4, j % 4)),
        out_shape=jax.ShapeDtypeStruct((2 * T, D), jnp.bfloat16),
    )(x_bf16, wq, wk)


def _imp_common(q_blk, kv_blk, width, q_off, qi):
    bq = q_blk.shape[0]
    nh = q_blk.shape[1] // DH
    row = (q_off + qi) * bq + lax.broadcasted_iota(jnp.int32, (bq, width), 0)
    col = lax.broadcasted_iota(jnp.int32, (bq, width), 1)
    mask = col <= row
    c = jnp.zeros((1, width), jnp.float32)
    for i in range(nh):
        s = lax.dot_general(q_blk[:, i * DH:(i + 1) * DH],
                            kv_blk[:, i * DH:(i + 1) * DH],
                            (((1,), (1,)), ((), ())),
                            preferred_element_type=jnp.float32)
        e = jnp.exp(s * jnp.float32(SCALE))
        p = jnp.where(mask, e, jnp.float32(0.0))
        l = jnp.sum(p, axis=1, keepdims=True)
        c = c + jnp.sum(p * (1.0 / l), axis=0, keepdims=True)
    return c


def _imp1_body(q_ref, kv_ref, imp_ref):
    h = pl.program_id(0)
    qi = pl.program_id(1)
    c = _imp_common(q_ref[...], kv_ref[...], 1024, 0, qi)

    @pl.when((h == 0) & (qi == 0))
    def _init():
        imp_ref[...] = jnp.zeros((1, T), jnp.float32)
        imp_ref[:, :1024] += c

    @pl.when((h > 0) | (qi > 0))
    def _acc():
        imp_ref[:, :1024] += c


def _imp2_body(q_ref, kv_ref, prev_ref, imp_ref, idx_ref):
    h = pl.program_id(0)
    qi = pl.program_id(1)
    c = _imp_common(q_ref[...], kv_ref[...], T, 1, qi)

    @pl.when((h == 0) & (qi == 0))
    def _init():
        imp_ref[...] = prev_ref[...] + c

    @pl.when((h > 0) | (qi > 0))
    def _acc():
        imp_ref[...] += c

    @pl.when((h == H // 4 - 1) & (qi == 0))
    def _topk():
        col = lax.broadcasted_iota(jnp.int32, (1, T), 1)
        pos = lax.broadcasted_iota(jnp.int32, (1, K_KEEP), 1)

        def step(t, carry):
            v, out = carry
            m = jnp.max(v)
            cand = jnp.where(v == m, col, jnp.int32(T))
            i = jnp.min(cand)
            out = jnp.where(pos == t, i, out)
            v = jnp.where(col == i, jnp.float32(-jnp.inf), v)
            return v, out

        out0 = jnp.zeros((1, K_KEEP), jnp.int32)
        _, out = lax.fori_loop(0, K_KEEP, step, (imp_ref[...], out0))
        idx_ref[...] = jnp.concatenate([out, out], axis=1)


def _importance_topk(stack16):
    imp1 = pl.pallas_call(
        _imp1_body,
        grid=(H // 4, 1),
        in_specs=[
            pl.BlockSpec((1024, 4 * DH), lambda h, qi: (qi, h)),
            pl.BlockSpec((1024, 4 * DH), lambda h, qi: (2, h)),
        ],
        out_specs=pl.BlockSpec((1, T), lambda h, qi: (0, 0)),
        out_shape=jax.ShapeDtypeStruct((1, T), jnp.float32),
        compiler_params=pltpu.CompilerParams(
            vmem_limit_bytes=64 * 1024 * 1024),
    )(stack16, stack16)
    _, idx = pl.pallas_call(
        _imp2_body,
        grid=(H // 4, 1),
        in_specs=[
            pl.BlockSpec((1024, 4 * DH), lambda h, qi: (1 + qi, h)),
            pl.BlockSpec((T, 4 * DH), lambda h, qi: (1, h)),
            pl.BlockSpec((1, T), lambda h, qi: (0, 0)),
        ],
        out_specs=[
            pl.BlockSpec((1, T), lambda h, qi: (0, 0)),
            pl.BlockSpec((1, 2 * K_KEEP), lambda h, qi: (0, 0)),
        ],
        out_shape=[
            jax.ShapeDtypeStruct((1, T), jnp.float32),
            jax.ShapeDtypeStruct((1, 2 * K_KEEP), jnp.int32),
        ],
        compiler_params=pltpu.CompilerParams(
            vmem_limit_bytes=64 * 1024 * 1024),
    )(stack16, stack16, imp1)
    return idx


def _sc_gather_body(kv_hbm, idx_hbm, sel_hbm, idx_v, rows_v, sem):
    wid = lax.axis_index("s") * 2 + lax.axis_index("c")
    base = wid * 8
    pltpu.sync_copy(idx_hbm.at[pl.ds(base, 8)], idx_v)
    pltpu.async_copy(kv_hbm.at[idx_v], rows_v, sem).wait()
    pltpu.sync_copy(rows_v, sel_hbm.at[pl.ds(base, 8)])


def _gather_hs(hs2d, idx1d):
    mesh = plsc.VectorSubcoreMesh(core_axis_name="c", subcore_axis_name="s")
    f = pl.kernel(
        _sc_gather_body,
        out_type=jax.ShapeDtypeStruct((2 * K_KEEP, D), jnp.float32),
        mesh=mesh,
        scratch_types=[
            pltpu.VMEM((8,), jnp.int32),
            pltpu.VMEM((8, D), jnp.float32),
            pltpu.SemaphoreType.DMA,
        ],
    )
    return f(hs2d, idx1d)


def _pruned_body(q_ref, hs_ref, wk_ref, wv_ref, wo_ref,
                 probs_ref, out_ref, knew_ref, vnew_ref, ctx_ref):
    h = pl.program_id(0)
    hb = hs_ref[...].astype(jnp.bfloat16)
    for i in range(2):
        sl = slice(i * DH, (i + 1) * DH)
        ks = jnp.dot(hb, wk_ref[:, sl].astype(jnp.bfloat16),
                     preferred_element_type=jnp.float32)
        vs = jnp.dot(hb, wv_ref[:, sl].astype(jnp.bfloat16),
                     preferred_element_type=jnp.float32)
        knew_ref[i] = ks
        vnew_ref[i] = vs
        s = lax.dot_general(q_ref[:, sl], ks.astype(jnp.bfloat16),
                            (((1,), (1,)), ((), ())),
                            preferred_element_type=jnp.float32)
        p = jnp.exp(s * jnp.float32(SCALE))
        l = jnp.sum(p, axis=1, keepdims=True)
        probs = p * (1.0 / l)
        probs_ref[i] = probs
        ctx = jnp.dot(probs.astype(jnp.bfloat16), vs.astype(jnp.bfloat16),
                      preferred_element_type=jnp.float32)
        ctx_ref[:, pl.ds((2 * h + i) * DH, DH)] = ctx.astype(jnp.bfloat16)

    @pl.when(h == H // 2 - 1)
    def _project():
        out_ref[...] = jnp.dot(ctx_ref[...], wo_ref[...],
                               preferred_element_type=jnp.float32)


def _pruned_attn_out(stack16, hs_sel, wk, wv, wo):
    return pl.pallas_call(
        _pruned_body,
        grid=(H // 2,),
        in_specs=[
            pl.BlockSpec((T, 2 * DH), lambda h: (0, h)),
            pl.BlockSpec((K_KEEP, D), lambda h: (0, 0)),
            pl.BlockSpec((D, 2 * DH), lambda h: (0, h)),
            pl.BlockSpec((D, 2 * DH), lambda h: (0, h)),
            pl.BlockSpec((D, D), lambda h: (0, 0)),
        ],
        out_specs=[
            pl.BlockSpec((2, T, K_KEEP), lambda h: (h, 0, 0)),
            pl.BlockSpec((T, D), lambda h: (0, 0)),
            pl.BlockSpec((2, K_KEEP, DH), lambda h: (h, 0, 0)),
            pl.BlockSpec((2, K_KEEP, DH), lambda h: (h, 0, 0)),
        ],
        out_shape=[
            jax.ShapeDtypeStruct((H, T, K_KEEP), jnp.float32),
            jax.ShapeDtypeStruct((T, D), jnp.float32),
            jax.ShapeDtypeStruct((H, K_KEEP, DH), jnp.float32),
            jax.ShapeDtypeStruct((H, K_KEEP, DH), jnp.float32),
        ],
        scratch_shapes=[pltpu.VMEM((T, D), jnp.bfloat16)],
        compiler_params=pltpu.CompilerParams(
            vmem_limit_bytes=64 * 1024 * 1024),
    )(stack16, hs_sel, wk, wv, wo.astype(jnp.bfloat16))


def kernel(hidden_states, Wq, Wk, Wv, Wo):
    b, t, d = hidden_states.shape
    x = hidden_states.reshape(t, d).astype(jnp.bfloat16)

    stack16 = _qk_matmul(x, Wq, Wk)

    idx2d = _importance_topk(stack16)
    idx1d = idx2d.reshape(2 * K_KEEP)

    hs_sel = _gather_hs(hidden_states.reshape(t, d), idx1d)

    probs, out2d, knew, vnew = _pruned_attn_out(stack16, hs_sel, Wk, Wv, Wo)

    out = out2d.reshape(b, t, d)
    attn_probs = probs.reshape(b, H, t, K_KEEP)
    return (out, attn_probs, knew[None], vnew[None])

# --- scband reference (transcript-rebuilt; emitter-appended) ---
"""Pipeline reference for scband-top-kpruned-attention-19095424598883 (READ-ONLY COPY).

The authoritative reference and input builder live on the scoring server;
editing this copy changes nothing except your own understanding.
"""

import jax, jax.numpy as jnp
import numpy as np

B, T, D, H = 1, 2048, 2048, 16
DH = D // H
K_KEEP = 128


def setup_inputs(seed: int = 0) -> dict:
    key = jax.random.key(seed)
    ks = jax.random.split(key, 5)
    s = 1.0 / np.sqrt(D)
    hidden_states = jax.random.normal(ks[0], (B, T, D), dtype=jnp.float32)
    Wq = jax.random.normal(ks[1], (D, D), dtype=jnp.float32) * s
    Wk = jax.random.normal(ks[2], (D, D), dtype=jnp.float32) * s
    Wv = jax.random.normal(ks[3], (D, D), dtype=jnp.float32) * s
    Wo = jax.random.normal(ks[4], (D, D), dtype=jnp.float32) * s
    return {"hidden_states": hidden_states, "Wq": Wq, "Wk": Wk, "Wv": Wv, "Wo": Wo}


def reference(hidden_states, Wq, Wk, Wv, Wo):
    # --- base attention (causal MHA, output_attentions=True, H_kv == H so
    #     num_key_value_groups == 1 and repeat_kv is the identity) ---
    b, t, d = hidden_states.shape
    scale = 1.0 / np.sqrt(DH)

    def split_heads(x):
        return x.reshape(b, t, H, DH).transpose(0, 2, 1, 3)  # [B,H,T,DH]

    q = split_heads(hidden_states @ Wq)
    k = split_heads(hidden_states @ Wk)
    v = split_heads(hidden_states @ Wv)

    scores = jnp.matmul(q, k.transpose(0, 1, 3, 2)) * scale  # [B,H,T,T]
    causal = jnp.tril(jnp.ones((t, t), dtype=bool))
    scores = jnp.where(causal[None, None, :, :], scores, jnp.float32(-1e30))
    attn_w = jax.nn.softmax(scores, axis=-1)                 # [B,H,T,T]
    ctx = jnp.matmul(attn_w, v)                              # [B,H,T,DH]
    ctx = ctx.transpose(0, 2, 1, 3).reshape(b, t, d) @ Wo    # base-attn output (pre-prune)
    # pkv (legacy tuple format): (k, v), each [B, H_kv, T, DH]

    # --- top-k pruning path (layer_idx >= prune_start) ---
    importance = attn_w.mean(axis=(1, 2))                    # [B, T]
    k_keep = min(K_KEEP, importance.shape[1])
    topk_idx = jax.lax.top_k(importance, k_keep)[1]          # [B, k_keep]
    idx = topk_idx[:, None, :, None]                         # [B,1,k_keep,1]
    k_new = jnp.take_along_axis(k, idx, axis=2)              # [B,H,k_keep,DH]
    v_new = jnp.take_along_axis(v, idx, axis=2)

    # recompute q projection as in the torch module
    q2 = (hidden_states @ Wq).reshape(b, t, H, DH).transpose(0, 2, 1, 3)
    # repeat_kv with num_key_value_groups == 1 is identity
    attn_scores = jnp.matmul(q2, k_new.transpose(0, 1, 3, 2)) * scale  # [B,H,T,k_keep]
    attn_probs = jax.nn.softmax(attn_scores, axis=-1)
    ctx_new = jnp.matmul(attn_probs, v_new)                  # [B,H,T,DH]
    ctx_new = ctx_new.transpose(0, 2, 1, 3).reshape(b, t, d)
    out = ctx_new @ Wo                                       # [B,T,D]

    return (out, attn_probs, k_new, v_new)

if __name__ == "__main__":
    import jax
    _d = setup_inputs()
    print(jax.jit(kernel)(*tuple(_d.values())))

</pallas_src>

<mosaic_0001>
#map = affine_map<(d0, d1) -> (0, 0)>
#map1 = affine_map<(d0, d1) -> (0)>
module attributes {stable_mosaic.version = 14 : i64} {
  func.func @_sc_gather_body(%arg0: i32, %arg1: i32, %arg2: memref<2048x2048xf32, #tpu.memory_space<hbm>>, %arg3: memref<256xi32, #tpu.memory_space<hbm>>, %arg4: memref<256x2048xf32, #tpu.memory_space<hbm>>, %arg5: memref<8xi32, #tpu.memory_space<vmem>>, %arg6: memref<8x2048xf32, #tpu.memory_space<vmem>>, %arg7: memref<!tpu.dma_semaphore, #tpu.memory_space<semaphore_mem>>) attributes {dimension_semantics = [#tpu.dimension_semantics<core_parallel>, #tpu.dimension_semantics<subcore_parallel>], iteration_bounds = array<i64: 2, 16>, scalar_prefetch = 0 : i64, scratch_operands = 3 : i64, tpu.core_type = #tpu.core_type<sc_vector_subcore>, window_params = [{transform_indices = #map}, {transform_indices = #map1}, {transform_indices = #map}]} {
    %mul3A = arith.constant 2 : i32
    %mul3A_0 = arith.muli %arg1, %mul3A : i32
    %add3A = arith.addi %mul3A_0, %arg0 : i32
    %mul3A_1 = arith.constant 8 : i32
    %mul3A_2 = arith.muli %add3A, %mul3A_1 : i32
    "tpu.region"() ({
      %run_scoped3A = tpu.sem_alloc : memref<!tpu.dma_semaphore, #tpu.memory_space<semaphore_mem>>
      %dma_start3A_7 = tpu.memref_slice %arg3[%mul3A_2] : memref<256xi32, #tpu.memory_space<hbm>> -> memref<8xi32, #tpu.memory_space<hbm>>
      %dma_start3A_8 = tpu.memref_slice %arg3[%mul3A_2] : memref<256xi32, #tpu.memory_space<hbm>> -> memref<8xi32, #tpu.memory_space<hbm>>
      tpu.enqueue_dma source(%dma_start3A_8 : memref<8xi32, #tpu.memory_space<hbm>>) target(%arg5 : memref<8xi32, #tpu.memory_space<vmem>>) target_semaphore(%run_scoped3A : memref<!tpu.dma_semaphore, #tpu.memory_space<semaphore_mem>>)
      %dma_wait3A_9 = tpu.memref_slice %arg3[%mul3A_2] : memref<256xi32, #tpu.memory_space<hbm>> -> memref<8xi32, #tpu.memory_space<hbm>>
      %dma_wait3A_10 = tpu.memref_slice %arg3[%mul3A_2] : memref<256xi32, #tpu.memory_space<hbm>> -> memref<8xi32, #tpu.memory_space<hbm>>
      tpu.wait_dma2 semaphore(%run_scoped3A : memref<!tpu.dma_semaphore, #tpu.memory_space<semaphore_mem>>) src(%dma_wait3A_10 : memref<8xi32, #tpu.memory_space<hbm>>) dst(%arg5 : memref<8xi32, #tpu.memory_space<vmem>>)
      tpu.yield
    }) : () -> ()
    %dma_start3A = arith.constant 0 : i32
    %dma_start3A_3 = arith.constant 0 : i32
    %dma_start3A_4 = tpu.memref_slice %arg2[%dma_start3A, %dma_start3A_3] : memref<2048x2048xf32, #tpu.memory_space<hbm>> -> memref<2048x2048xf32, #tpu.memory_space<hbm>>
    tpu.enqueue_indirect_dma source(%dma_start3A_4 : memref<2048x2048xf32, #tpu.memory_space<hbm>>) target(%arg6 : memref<8x2048xf32, #tpu.memory_space<vmem>>) offsets(%arg5 : memref<8xi32, #tpu.memory_space<vmem>>) semaphore(%arg7 : memref<!tpu.dma_semaphore, #tpu.memory_space<semaphore_mem>>)
    %dma_wait3A = arith.constant 0 : i32
    %dma_wait3A_5 = arith.constant 0 : i32
    %dma_wait3A_6 = tpu.memref_slice %arg2[%dma_wait3A, %dma_wait3A_5] : memref<2048x2048xf32, #tpu.memory_space<hbm>> -> memref<2048x2048xf32, #tpu.memory_space<hbm>>
    tpu.wait_indirect_dma semaphore(%arg7 : memref<!tpu.dma_semaphore, #tpu.memory_space<semaphore_mem>>) src(%dma_wait3A_6 : memref<2048x2048xf32, #tpu.memory_space<hbm>>) dst(%arg6 : memref<8x2048xf32, #tpu.memory_space<vmem>>)
    "tpu.region"() ({
      %run_scoped3A = tpu.sem_alloc : memref<!tpu.dma_semaphore, #tpu.memory_space<semaphore_mem>>
      %dma_start3A_7 = arith.constant 0 : i32
      %dma_start3A_8 = tpu.memref_slice %arg4[%mul3A_2, %dma_start3A_7] : memref<256x2048xf32, #tpu.memory_space<hbm>> -> memref<8x2048xf32, #tpu.memory_space<hbm>>
      %dma_start3A_9 = arith.constant 0 : i32
      %dma_start3A_10 = tpu.memref_slice %arg4[%mul3A_2, %dma_start3A_9] : memref<256x2048xf32, #tpu.memory_space<hbm>> -> memref<8x2048xf32, #tpu.memory_space<hbm>>
      tpu.enqueue_dma source(%arg6 : memref<8x2048xf32, #tpu.memory_space<vmem>>) target(%dma_start3A_10 : memref<8x2048xf32, #tpu.memory_space<hbm>>) target_semaphore(%run_scoped3A : memref<!tpu.dma_semaphore, #tpu.memory_space<semaphore_mem>>)
      %dma_wait3A_11 = arith.constant 0 : i32
      %dma_wait3A_12 = tpu.memref_slice %arg4[%mul3A_2, %dma_wait3A_11] : memref<256x2048xf32, #tpu.memory_space<hbm>> -> memref<8x2048xf32, #tpu.memory_space<hbm>>
      %dma_wait3A_13 = arith.constant 0 : i32
      %dma_wait3A_14 = tpu.memref_slice %arg4[%mul3A_2, %dma_wait3A_13] : memref<256x2048xf32, #tpu.memory_space<hbm>> -> memref<8x2048xf32, #tpu.memory_space<hbm>>
      tpu.wait_dma2 semaphore(%run_scoped3A : memref<!tpu.dma_semaphore, #tpu.memory_space<semaphore_mem>>) src(%arg6 : memref<8x2048xf32, #tpu.memory_space<vmem>>) dst(%dma_wait3A_14 : memref<8x2048xf32, #tpu.memory_space<hbm>>)
      tpu.yield
    }) : () -> ()
    return
  }
}

module attributes {stable_mosaic.version = 14 : i64} {
  func.func @_imp1_body(%arg0: i32, %arg1: i32, %arg2: memref<1024x512xbf16, #tpu.memory_space<vmem>>, %arg3: memref<1024x512xbf16, #tpu.memory_space<vmem>>, %arg4: memref<1x2048xf32, #tpu.memory_space<vmem>>) attributes {dimension_semantics = [#tpu.dimension_semantics<arbitrary>, #tpu.dimension_semantics<arbitrary>], iteration_bounds = array<i64: 4, 1>, scalar_prefetch = 0 : i64, scratch_operands = 0 : i64, tpu.core_type = #tpu.core_type<tc>, window_params = [{transform_indices = @transform_0, window_bounds = array<i64: 1024, 512>}, {transform_indices = @transform_1, window_bounds = array<i64: 1024, 512>}, {pipeline_mode = #tpu.pipeline_mode<synchronous>, transform_indices = @transform_2, window_bounds = array<i64: 1, 2048>}]} {
    %get3A = arith.constant 0 : index
    %get3A_0 = arith.constant 0 : index
    %get3A_1 = vector.load %arg2[%get3A, %get3A_0] : memref<1024x512xbf16, #tpu.memory_space<vmem>>, vector<1024x512xbf16>
    %get3A_2 = arith.constant 0 : index
    %get3A_3 = arith.constant 0 : index
    %get3A_4 = vector.load %arg3[%get3A_2, %get3A_3] : memref<1024x512xbf16, #tpu.memory_space<vmem>>, vector<1024x512xbf16>
    %add3A = arith.constant 0 : i32
    %add3A_5 = arith.addi %add3A, %arg1 : i32
    %mul3A = arith.constant 1024 : i32
    %mul3A_6 = arith.muli %add3A_5, %mul3A : i32
    %iota3A = tpu.iota {dimensions = array<i32: 0>} : vector<1024x1024xi32>
    %add3A_7 = vector.broadcast %mul3A_6 : i32 to vector<1024x1024xi32>
    %add3A_8 = arith.addi %add3A_7, %iota3A : vector<1024x1024xi32>
    %iota3A_9 = tpu.iota {dimensions = array<i32: 1>} : vector<1024x1024xi32>
    %le3A = arith.cmpi sle, %iota3A_9, %add3A_8 : vector<1024x1024xi32>
    %broadcast_in_dim3A = arith.constant 0.000000e+00 : f32
    %broadcast_in_dim3A_10 = vector.broadcast %broadcast_in_dim3A : f32 to vector<1x1024xf32>
    %slice3A = vector.extract_strided_slice %get3A_1 {offsets = [0, 0], sizes = [1024, 128], strides = [1, 1]} : vector<1024x512xbf16> to vector<1024x128xbf16>
    %slice3A_11 = vector.extract_strided_slice %get3A_4 {offsets = [0, 0], sizes = [1024, 128], strides = [1, 1]} : vector<1024x512xbf16> to vector<1024x128xbf16>
    %dot_general3A = arith.constant dense<0.000000e+00> : vector<1024x1024xf32>
    %dot_general3A_12 = tpu.matmul %slice3A, %slice3A_11, %dot_general3A {dimension_numbers = #tpu.dot_dimension_numbers<[1], [1], [0], [0], [0, 0, 1, 0], [], []>, transpose_lhs_hint = false} : vector<1024x128xbf16>, vector<1024x128xbf16>, vector<1024x1024xf32> -> vector<1024x1024xf32>
    %mul3A_13 = arith.constant 0.0883883461 : f32
    %mul3A_14 = vector.broadcast %mul3A_13 : f32 to vector<1024x1024xf32>
    %mul3A_15 = arith.mulf %dot_general3A_12, %mul3A_14 : vector<1024x1024xf32>
    %exp3A = math.exp %mul3A_15 : vector<1024x1024xf32>
    %jit3A = arith.constant 0.000000e+00 : f32
    %broadcast_in_dim3A_16 = vector.broadcast %jit3A : f32 to vector<1024x1024xf32>
    %select_n3A = arith.select %le3A, %exp3A, %broadcast_in_dim3A_16 : vector<1024x1024xi1>, vector<1024x1024xf32>
    %reduce_sum3A = arith.constant dense<0.000000e+00> : vector<1024xf32>
    %reduce_sum3A_17 = vector.multi_reduction <add>, %select_n3A, %reduce_sum3A [1] : vector<1024x1024xf32> to vector<1024xf32>
    %broadcast_in_dim3A_18 = vector.shape_cast %reduce_sum3A_17 : vector<1024xf32> to vector<1024x1xf32>
    %div3A = arith.constant 1.000000e+00 : f32
    %div3A_19 = vector.broadcast %div3A : f32 to vector<1024x1xf32>
    %div3A_20 = arith.divf %div3A_19, %broadcast_in_dim3A_18 : vector<1024x1xf32>
    %mul3A_21 = vector.broadcast %div3A_20 : vector<1024x1xf32> to vector<1024x1024xf32>
    %mul3A_22 = arith.mulf %select_n3A, %mul3A_21 : vector<1024x1024xf32>
    %reduce_sum3A_23 = arith.constant dense<0.000000e+00> : vector<1024xf32>
    %reduce_sum3A_24 = vector.multi_reduction <add>, %mul3A_22, %reduce_sum3A_23 [0] : vector<1024x1024xf32> to vector<1024xf32>
    %broadcast_in_dim3A_25 = vector.shape_cast %reduce_sum3A_24 : vector<1024xf32> to vector<1x1024xf32>
    %add3A_26 = arith.addf %broadcast_in_dim3A_10, %broadcast_in_dim3A_25 : vector<1x1024xf32>
    %slice3A_27 = vector.extract_strided_slice %get3A_1 {offsets = [0, 128], sizes = [1024, 128], strides = [1, 1]} : vector<1024x512xbf16> to vector<1024x128xbf16>
    %slice3A_28 = vector.extract_strided_slice %get3A_4 {offsets = [0, 128], sizes = [1024, 128], strides = [1, 1]} : vector<1024x512xbf16> to vector<1024x128xbf16>
    %dot_general3A_29 = arith.constant dense<0.000000e+00> : vector<1024x1024xf32>
    %dot_general3A_30 = tpu.matmul %slice3A_27, %slice3A_28, %dot_general3A_29 {dimension_numbers = #tpu.dot_dimension_numbers<[1], [1], [0], [0], [0, 0, 1, 0], [], []>, transpose_lhs_hint = false} : vector<1024x128xbf16>, vector<1024x128xbf16>, vector<1024x1024xf32> -> vector<1024x1024xf32>
    %mul3A_31 = arith.constant 0.0883883461 : f32
    %mul3A_32 = vector.broadcast %mul3A_31 : f32 to vector<1024x1024xf32>
    %mul3A_33 = arith.mulf %dot_general3A_30, %mul3A_32 : vector<1024x1024xf32>
    %exp3A_34 = math.exp %mul3A_33 : vector<1024x1024xf32>
    %jit3A_35 = arith.constant 0.000000e+00 : f32
    %broadcast_in_dim3A_36 = vector.broadcast %jit3A_35 : f32 to vector<1024x1024xf32>
    %select_n3A_37 = arith.select %le3A, %exp3A_34, %broadcast_in_dim3A_36 : vector<1024x1024xi1>, vector<1024x1024xf32>
    %reduce_sum3A_38 = arith.constant dense<0.000000e+00> : vector<1024xf32>
    %reduce_sum3A_39 = vector.multi_reduction <add>, %select_n3A_37, %reduce_sum3A_38 [1] : vector<1024x1024xf32> to vector<1024xf32>
    %broadcast_in_dim3A_40 = vector.shape_cast %reduce_sum3A_39 : vector<1024xf32> to vector<1024x1xf32>
    %div3A_41 = arith.constant 1.000000e+00 : f32
    %div3A_42 = vector.broadcast %div3A_41 : f32 to vector<1024x1xf32>
    %div3A_43 = arith.divf %div3A_42, %broadcast_in_dim3A_40 : vector<1024x1xf32>
    %mul3A_44 = vector.broadcast %div3A_43 : vector<1024x1xf32> to vector<1024x1024xf32>
    %mul3A_45 = arith.mulf %select_n3A_37, %mul3A_44 : vector<1024x1024xf32>
    %reduce_sum3A_46 = arith.constant dense<0.000000e+00> : vector<1024xf32>
    %reduce_sum3A_47 = vector.multi_reduction <add>, %mul3A_45, %reduce_sum3A_46 [0] : vector<1024x1024xf32> to vector<1024xf32>
    %broadcast_in_dim3A_48 = vector.shape_cast %reduce_sum3A_47 : vector<1024xf32> to vector<1x1024xf32>
    %add3A_49 = arith.addf %add3A_26, %broadcast_in_dim3A_48 : vector<1x1024xf32>
    %slice3A_50 = vector.extract_strided_slice %get3A_1 {offsets = [0, 256], sizes = [1024, 128], strides = [1, 1]} : vector<1024x512xbf16> to vector<1024x128xbf16>
    %slice3A_51 = vector.extract_strided_slice %get3A_4 {offsets = [0, 256], sizes = [1024, 128], strides = [1, 1]} : vector<1024x512xbf16> to vector<1024x128xbf16>
    %dot_general3A_52 = arith.constant dense<0.000000e+00> : vector<1024x1024xf32>
    %dot_general3A_53 = tpu.matmul %slice3A_50, %slice3A_51, %dot_general3A_52 {dimension_numbers = #tpu.dot_dimension_numbers<[1], [1], [0], [0], [0, 0, 1, 0], [], []>, transpose_lhs_hint = false} : vector<1024x128xbf16>, vector<1024x128xbf16>, vector<1024x1024xf32> -> vector<1024x1024xf32>
    %mul3A_54 = arith.constant 0.0883883461 : f32
    %mul3A_55 = vector.broadcast %mul3A_54 : f32 to vector<1024x1024xf32>
    %mul3A_56 = arith.mulf %dot_general3A_53, %mul3A_55 : vector<1024x1024xf32>
    %exp3A_57 = math.exp %mul3A_56 : vector<1024x1024xf32>
    %jit3A_58 = arith.constant 0.000000e+00 : f32
    %broadcast_in_dim3A_59 = vector.broadcast %jit3A_58 : f32 to vector<1024x1024xf32>
    %select_n3A_60 = arith.select %le3A, %exp3A_57, %broadcast_in_dim3A_59 : vector<1024x1024xi1>, vector<1024x1024xf32>
    %reduce_sum3A_61 = arith.constant dense<0.000000e+00> : vector<1024xf32>
    %reduce_sum3A_62 = vector.multi_reduction <add>, %select_n3A_60, %reduce_sum3A_61 [1] : vector<1024x1024xf32> to vector<1024xf32>
    %broadcast_in_dim3A_63 = vector.shape_cast %reduce_sum3A_62 : vector<1024xf32> to vector<1024x1xf32>
    %div3A_64 = arith.constant 1.000000e+00 : f32
    %div3A_65 = vector.broadcast %div3A_64 : f32 to vector<1024x1xf32>
    %div3A_66 = arith.divf %div3A_65, %broadcast_in_dim3A_63 : vector<1024x1xf32>
    %mul3A_67 = vector.broadcast %div3A_66 : vector<1024x1xf32> to vector<1024x1024xf32>
    %mul3A_68 = arith.mulf %select_n3A_60, %mul3A_67 : vector<1024x1024xf32>
    %reduce_sum3A_69 = arith.constant dense<0.000000e+00> : vector<1024xf32>
    %reduce_sum3A_70 = vector.multi_reduction <add>, %mul3A_68, %reduce_sum3A_69 [0] : vector<1024x1024xf32> to vector<1024xf32>
    %broadcast_in_dim3A_71 = vector.shape_cast %reduce_sum3A_70 : vector<1024xf32> to vector<1x1024xf32>
    %add3A_72 = arith.addf %add3A_49, %broadcast_in_dim3A_71 : vector<1x1024xf32>
    %slice3A_73 = vector.extract_strided_slice %get3A_1 {offsets = [0, 384], sizes = [1024, 128], strides = [1, 1]} : vector<1024x512xbf16> to vector<1024x128xbf16>
    %slice3A_74 = vector.extract_strided_slice %get3A_4 {offsets = [0, 384], sizes = [1024, 128], strides = [1, 1]} : vector<1024x512xbf16> to vector<1024x128xbf16>
    %dot_general3A_75 = arith.constant dense<0.000000e+00> : vector<1024x1024xf32>
    %dot_general3A_76 = tpu.matmul %slice3A_73, %slice3A_74, %dot_general3A_75 {dimension_numbers = #tpu.dot_dimension_numbers<[1], [1], [0], [0], [0, 0, 1, 0], [], []>, transpose_lhs_hint = false} : vector<1024x128xbf16>, vector<1024x128xbf16>, vector<1024x1024xf32> -> vector<1024x1024xf32>
    %mul3A_77 = arith.constant 0.0883883461 : f32
    %mul3A_78 = vector.broadcast %mul3A_77 : f32 to vector<1024x1024xf32>
    %mul3A_79 = arith.mulf %dot_general3A_76, %mul3A_78 : vector<1024x1024xf32>
    %exp3A_80 = math.exp %mul3A_79 : vector<1024x1024xf32>
    %jit3A_81 = arith.constant 0.000000e+00 : f32
    %broadcast_in_dim3A_82 = vector.broadcast %jit3A_81 : f32 to vector<1024x1024xf32>
    %select_n3A_83 = arith.select %le3A, %exp3A_80, %broadcast_in_dim3A_82 : vector<1024x1024xi1>, vector<1024x1024xf32>
    %reduce_sum3A_84 = arith.constant dense<0.000000e+00> : vector<1024xf32>
    %reduce_sum3A_85 = vector.multi_reduction <add>, %select_n3A_83, %reduce_sum3A_84 [1] : vector<1024x1024xf32> to vector<1024xf32>
    %broadcast_in_dim3A_86 = vector.shape_cast %reduce_sum3A_85 : vector<1024xf32> to vector<1024x1xf32>
    %div3A_87 = arith.constant 1.000000e+00 : f32
    %div3A_88 = vector.broadcast %div3A_87 : f32 to vector<1024x1xf32>
    %div3A_89 = arith.divf %div3A_88, %broadcast_in_dim3A_86 : vector<1024x1xf32>
    %mul3A_90 = vector.broadcast %div3A_89 : vector<1024x1xf32> to vector<1024x1024xf32>
    %mul3A_91 = arith.mulf %select_n3A_83, %mul3A_90 : vector<1024x1024xf32>
    %reduce_sum3A_92 = arith.constant dense<0.000000e+00> : vector<1024xf32>
    %reduce_sum3A_93 = vector.multi_reduction <add>, %mul3A_91, %reduce_sum3A_92 [0] : vector<1024x1024xf32> to vector<1024xf32>
    %broadcast_in_dim3A_94 = vector.shape_cast %reduce_sum3A_93 : vector<1024xf32> to vector<1x1024xf32>
    %add3A_95 = arith.addf %add3A_72, %broadcast_in_dim3A_94 : vector<1x1024xf32>
    %eq3A = arith.constant 0 : i32
    %eq3A_96 = arith.cmpi eq, %arg0, %eq3A : i32
    %eq3A_97 = arith.constant 0 : i32
    %eq3A_98 = arith.cmpi eq, %arg1, %eq3A_97 : i32
    %and3A = arith.andi %eq3A_96, %eq3A_98 : i1
    %convert_element_type3A = arith.extui %and3A : i1 to i32
    %cond3A = arith.constant 0 : i32
    %cond3A_99 = arith.cmpi ne, %convert_element_type3A, %cond3A : i32
    scf.if %cond3A_99 {
      %broadcast_in_dim3A_106 = arith.constant 0.000000e+00 : f32
      %broadcast_in_dim3A_107 = vector.broadcast %broadcast_in_dim3A_106 : f32 to vector<1x2048xf32>
      %swap3A = arith.constant 0 : index
      %swap3A_108 = arith.constant 0 : index
      %swap3A_109 = vector.load %arg4[%swap3A, %swap3A_108] : memref<1x2048xf32, #tpu.memory_space<vmem>>, vector<1x2048xf32>
      tpu.vector_store %arg4[%swap3A, %swap3A_108], %broadcast_in_dim3A_107 {strides = array<i32>} : memref<1x2048xf32, #tpu.memory_space<vmem>>, vector<1x2048xf32>,
      %get3A_110 = arith.constant 0 : index
      %get3A_111 = arith.constant 0 : index
      %get3A_112 = vector.load %arg4[%get3A_110, %get3A_111] : memref<1x2048xf32, #tpu.memory_space<vmem>>, vector<1x1024xf32>
      %add3A_113 = arith.addf %get3A_112, %add3A_95 : vector<1x1024xf32>
      %swap3A_114 = arith.constant 0 : index
      %swap3A_115 = arith.constant 0 : index
      %swap3A_116 = vector.load %arg4[%swap3A_114, %swap3A_115] : memref<1x2048xf32, #tpu.memory_space<vmem>>, vector<1x1024xf32>
      tpu.vector_store %arg4[%swap3A_114, %swap3A_115], %add3A_113 {strides = array<i32>} : memref<1x2048xf32, #tpu.memory_space<vmem>>, vector<1x1024xf32>,
    } else {
    }
    %gt3A = arith.constant 0 : i32
    %gt3A_100 = arith.cmpi sgt, %arg0, %gt3A : i32
    %gt3A_101 = arith.constant 0 : i32
    %gt3A_102 = arith.cmpi sgt, %arg1, %gt3A_101 : i32
    %or3A = arith.ori %gt3A_100, %gt3A_102 : i1
    %convert_element_type3A_103 = arith.extui %or3A : i1 to i32
    %cond3A_104 = arith.constant 0 : i32
    %cond3A_105 = arith.cmpi ne, %convert_element_type3A_103, %cond3A_104 : i32
    scf.if %cond3A_105 {
      %get3A_106 = arith.constant 0 : index
      %get3A_107 = arith.constant 0 : index
      %get3A_108 = vector.load %arg4[%get3A_106, %get3A_107] : memref<1x2048xf32, #tpu.memory_space<vmem>>, vector<1x1024xf32>
      %add3A_109 = arith.addf %get3A_108, %add3A_95 : vector<1x1024xf32>
      %swap3A = arith.constant 0 : index
      %swap3A_110 = arith.constant 0 : index
      %swap3A_111 = vector.load %arg4[%swap3A, %swap3A_110] : memref<1x2048xf32, #tpu.memory_space<vmem>>, vector<1x1024xf32>
      tpu.vector_store %arg4[%swap3A, %swap3A_110], %add3A_109 {strides = array<i32>} : memref<1x2048xf32, #tpu.memory_space<vmem>>, vector<1x1024xf32>,
    } else {
    }
    return
  }
  func.func @transform_0(%arg0: i32, %arg1: i32) -> (i32, i32) {
    %c0_i32 = arith.constant 0 : i32
    return %arg1, %arg0 : i32, i32
  }
  func.func @transform_1(%arg0: i32, %arg1: i32) -> (i32, i32) {
    %c2_i32 = arith.constant 2 : i32
    %c0_i32 = arith.constant 0 : i32
    return %c2_i32, %arg0 : i32, i32
  }
  func.func @transform_2(%arg0: i32, %arg1: i32) -> (i32, i32) {
    %c0_i32 = arith.constant 0 : i32
    %c0_i32_0 = arith.constant 0 : i32
    %c0_i32_1 = arith.constant 0 : i32
    return %c0_i32, %c0_i32_0 : i32, i32
  }
}

module attributes {stable_mosaic.version = 14 : i64} {
  func.func @_imp2_body(%arg0: i32, %arg1: i32, %arg2: memref<1024x512xbf16, #tpu.memory_space<vmem>>, %arg3: memref<2048x512xbf16, #tpu.memory_space<vmem>>, %arg4: memref<1x2048xf32, #tpu.memory_space<vmem>>, %arg5: memref<1x2048xf32, #tpu.memory_space<vmem>>, %arg6: memref<1x256xi32, #tpu.memory_space<vmem>>) attributes {dimension_semantics = [#tpu.dimension_semantics<arbitrary>, #tpu.dimension_semantics<arbitrary>], iteration_bounds = array<i64: 4, 1>, scalar_prefetch = 0 : i64, scratch_operands = 0 : i64, tpu.core_type = #tpu.core_type<tc>, window_params = [{transform_indices = @transform_0, window_bounds = array<i64: 1024, 512>}, {transform_indices = @transform_1, window_bounds = array<i64: 2048, 512>}, {pipeline_mode = #tpu.pipeline_mode<synchronous>, transform_indices = @transform_2, window_bounds = array<i64: 1, 2048>}, {pipeline_mode = #tpu.pipeline_mode<synchronous>, transform_indices = @transform_3, window_bounds = array<i64: 1, 2048>}, {pipeline_mode = #tpu.pipeline_mode<synchronous>, transform_indices = @transform_4, window_bounds = array<i64: 1, 256>}]} {
    %get3A = arith.constant 0 : index
    %get3A_0 = arith.constant 0 : index
    %get3A_1 = vector.load %arg2[%get3A, %get3A_0] : memref<1024x512xbf16, #tpu.memory_space<vmem>>, vector<1024x512xbf16>
    %get3A_2 = arith.constant 0 : index
    %get3A_3 = arith.constant 0 : index
    %get3A_4 = vector.load %arg3[%get3A_2, %get3A_3] : memref<2048x512xbf16, #tpu.memory_space<vmem>>, vector<2048x512xbf16>
    %add3A = arith.constant 1 : i32
    %add3A_5 = arith.addi %add3A, %arg1 : i32
    %mul3A = arith.constant 1024 : i32
    %mul3A_6 = arith.muli %add3A_5, %mul3A : i32
    %iota3A = tpu.iota {dimensions = array<i32: 0>} : vector<1024x2048xi32>
    %add3A_7 = vector.broadcast %mul3A_6 : i32 to vector<1024x2048xi32>
    %add3A_8 = arith.addi %add3A_7, %iota3A : vector<1024x2048xi32>
    %iota3A_9 = tpu.iota {dimensions = array<i32: 1>} : vector<1024x2048xi32>
    %le3A = arith.cmpi sle, %iota3A_9, %add3A_8 : vector<1024x2048xi32>
    %broadcast_in_dim3A = arith.constant 0.000000e+00 : f32
    %broadcast_in_dim3A_10 = vector.broadcast %broadcast_in_dim3A : f32 to vector<1x2048xf32>
    %slice3A = vector.extract_strided_slice %get3A_1 {offsets = [0, 0], sizes = [1024, 128], strides = [1, 1]} : vector<1024x512xbf16> to vector<1024x128xbf16>
    %slice3A_11 = vector.extract_strided_slice %get3A_4 {offsets = [0, 0], sizes = [2048, 128], strides = [1, 1]} : vector<2048x512xbf16> to vector<2048x128xbf16>
    %dot_general3A = arith.constant dense<0.000000e+00> : vector<1024x2048xf32>
    %dot_general3A_12 = tpu.matmul %slice3A, %slice3A_11, %dot_general3A {dimension_numbers = #tpu.dot_dimension_numbers<[1], [1], [0], [0], [0, 0, 1, 0], [], []>, transpose_lhs_hint = false} : vector<1024x128xbf16>, vector<2048x128xbf16>, vector<1024x2048xf32> -> vector<1024x2048xf32>
    %mul3A_13 = arith.constant 0.0883883461 : f32
    %mul3A_14 = vector.broadcast %mul3A_13 : f32 to vector<1024x2048xf32>
    %mul3A_15 = arith.mulf %dot_general3A_12, %mul3A_14 : vector<1024x2048xf32>
    %exp3A = math.exp %mul3A_15 : vector<1024x2048xf32>
    %jit3A = arith.constant 0.000000e+00 : f32
    %broadcast_in_dim3A_16 = vector.broadcast %jit3A : f32 to vector<1024x2048xf32>
    %select_n3A = arith.select %le3A, %exp3A, %broadcast_in_dim3A_16 : vector<1024x2048xi1>, vector<1024x2048xf32>
    %reduce_sum3A = arith.constant dense<0.000000e+00> : vector<1024xf32>
    %reduce_sum3A_17 = vector.multi_reduction <add>, %select_n3A, %reduce_sum3A [1] : vector<1024x2048xf32> to vector<1024xf32>
    %broadcast_in_dim3A_18 = vector.shape_cast %reduce_sum3A_17 : vector<1024xf32> to vector<1024x1xf32>
    %div3A = arith.constant 1.000000e+00 : f32
    %div3A_19 = vector.broadcast %div3A : f32 to vector<1024x1xf32>
    %div3A_20 = arith.divf %div3A_19, %broadcast_in_dim3A_18 : vector<1024x1xf32>
    %mul3A_21 = vector.broadcast %div3A_20 : vector<1024x1xf32> to vector<1024x2048xf32>
    %mul3A_22 = arith.mulf %select_n3A, %mul3A_21 : vector<1024x2048xf32>
    %reduce_sum3A_23 = arith.constant dense<0.000000e+00> : vector<2048xf32>
    %reduce_sum3A_24 = vector.multi_reduction <add>, %mul3A_22, %reduce_sum3A_23 [0] : vector<1024x2048xf32> to vector<2048xf32>
    %broadcast_in_dim3A_25 = vector.shape_cast %reduce_sum3A_24 : vector<2048xf32> to vector<1x2048xf32>
    %add3A_26 = arith.addf %broadcast_in_dim3A_10, %broadcast_in_dim3A_25 : vector<1x2048xf32>
    %slice3A_27 = vector.extract_strided_slice %get3A_1 {offsets = [0, 128], sizes = [1024, 128], strides = [1, 1]} : vector<1024x512xbf16> to vector<1024x128xbf16>
    %slice3A_28 = vector.extract_strided_slice %get3A_4 {offsets = [0, 128], sizes = [2048, 128], strides = [1, 1]} : vector<2048x512xbf16> to vector<2048x128xbf16>
    %dot_general3A_29 = arith.constant dense<0.000000e+00> : vector<1024x2048xf32>
    %dot_general3A_30 = tpu.matmul %slice3A_27, %slice3A_28, %dot_general3A_29 {dimension_numbers = #tpu.dot_dimension_numbers<[1], [1], [0], [0], [0, 0, 1, 0], [], []>, transpose_lhs_hint = false} : vector<1024x128xbf16>, vector<2048x128xbf16>, vector<1024x2048xf32> -> vector<1024x2048xf32>
    %mul3A_31 = arith.constant 0.0883883461 : f32
    %mul3A_32 = vector.broadcast %mul3A_31 : f32 to vector<1024x2048xf32>
    %mul3A_33 = arith.mulf %dot_general3A_30, %mul3A_32 : vector<1024x2048xf32>
    %exp3A_34 = math.exp %mul3A_33 : vector<1024x2048xf32>
    %jit3A_35 = arith.constant 0.000000e+00 : f32
    %broadcast_in_dim3A_36 = vector.broadcast %jit3A_35 : f32 to vector<1024x2048xf32>
    %select_n3A_37 = arith.select %le3A, %exp3A_34, %broadcast_in_dim3A_36 : vector<1024x2048xi1>, vector<1024x2048xf32>
    %reduce_sum3A_38 = arith.constant dense<0.000000e+00> : vector<1024xf32>
    %reduce_sum3A_39 = vector.multi_reduction <add>, %select_n3A_37, %reduce_sum3A_38 [1] : vector<1024x2048xf32> to vector<1024xf32>
    %broadcast_in_dim3A_40 = vector.shape_cast %reduce_sum3A_39 : vector<1024xf32> to vector<1024x1xf32>
    %div3A_41 = arith.constant 1.000000e+00 : f32
    %div3A_42 = vector.broadcast %div3A_41 : f32 to vector<1024x1xf32>
    %div3A_43 = arith.divf %div3A_42, %broadcast_in_dim3A_40 : vector<1024x1xf32>
    %mul3A_44 = vector.broadcast %div3A_43 : vector<1024x1xf32> to vector<1024x2048xf32>
    %mul3A_45 = arith.mulf %select_n3A_37, %mul3A_44 : vector<1024x2048xf32>
    %reduce_sum3A_46 = arith.constant dense<0.000000e+00> : vector<2048xf32>
    %reduce_sum3A_47 = vector.multi_reduction <add>, %mul3A_45, %reduce_sum3A_46 [0] : vector<1024x2048xf32> to vector<2048xf32>
    %broadcast_in_dim3A_48 = vector.shape_cast %reduce_sum3A_47 : vector<2048xf32> to vector<1x2048xf32>
    %add3A_49 = arith.addf %add3A_26, %broadcast_in_dim3A_48 : vector<1x2048xf32>
    %slice3A_50 = vector.extract_strided_slice %get3A_1 {offsets = [0, 256], sizes = [1024, 128], strides = [1, 1]} : vector<1024x512xbf16> to vector<1024x128xbf16>
    %slice3A_51 = vector.extract_strided_slice %get3A_4 {offsets = [0, 256], sizes = [2048, 128], strides = [1, 1]} : vector<2048x512xbf16> to vector<2048x128xbf16>
    %dot_general3A_52 = arith.constant dense<0.000000e+00> : vector<1024x2048xf32>
    %dot_general3A_53 = tpu.matmul %slice3A_50, %slice3A_51, %dot_general3A_52 {dimension_numbers = #tpu.dot_dimension_numbers<[1], [1], [0], [0], [0, 0, 1, 0], [], []>, transpose_lhs_hint = false} : vector<1024x128xbf16>, vector<2048x128xbf16>, vector<1024x2048xf32> -> vector<1024x2048xf32>
    %mul3A_54 = arith.constant 0.0883883461 : f32
    %mul3A_55 = vector.broadcast %mul3A_54 : f32 to vector<1024x2048xf32>
    %mul3A_56 = arith.mulf %dot_general3A_53, %mul3A_55 : vector<1024x2048xf32>
    %exp3A_57 = math.exp %mul3A_56 : vector<1024x2048xf32>
    %jit3A_58 = arith.constant 0.000000e+00 : f32
    %broadcast_in_dim3A_59 = vector.broadcast %jit3A_58 : f32 to vector<1024x2048xf32>
    %select_n3A_60 = arith.select %le3A, %exp3A_57, %broadcast_in_dim3A_59 : vector<1024x2048xi1>, vector<1024x2048xf32>
    %reduce_sum3A_61 = arith.constant dense<0.000000e+00> : vector<1024xf32>
    %reduce_sum3A_62 = vector.multi_reduction <add>, %select_n3A_60, %reduce_sum3A_61 [1] : vector<1024x2048xf32> to vector<1024xf32>
    %broadcast_in_dim3A_63 = vector.shape_cast %reduce_sum3A_62 : vector<1024xf32> to vector<1024x1xf32>
    %div3A_64 = arith.constant 1.000000e+00 : f32
    %div3A_65 = vector.broadcast %div3A_64 : f32 to vector<1024x1xf32>
    %div3A_66 = arith.divf %div3A_65, %broadcast_in_dim3A_63 : vector<1024x1xf32>
    %mul3A_67 = vector.broadcast %div3A_66 : vector<1024x1xf32> to vector<1024x2048xf32>
    %mul3A_68 = arith.mulf %select_n3A_60, %mul3A_67 : vector<1024x2048xf32>
    %reduce_sum3A_69 = arith.constant dense<0.000000e+00> : vector<2048xf32>
    %reduce_sum3A_70 = vector.multi_reduction <add>, %mul3A_68, %reduce_sum3A_69 [0] : vector<1024x2048xf32> to vector<2048xf32>
    %broadcast_in_dim3A_71 = vector.shape_cast %reduce_sum3A_70 : vector<2048xf32> to vector<1x2048xf32>
    %add3A_72 = arith.addf %add3A_49, %broadcast_in_dim3A_71 : vector<1x2048xf32>
    %slice3A_73 = vector.extract_strided_slice %get3A_1 {offsets = [0, 384], sizes = [1024, 128], strides = [1, 1]} : vector<1024x512xbf16> to vector<1024x128xbf16>
    %slice3A_74 = vector.extract_strided_slice %get3A_4 {offsets = [0, 384], sizes = [2048, 128], strides = [1, 1]} : vector<2048x512xbf16> to vector<2048x128xbf16>
    %dot_general3A_75 = arith.constant dense<0.000000e+00> : vector<1024x2048xf32>
    %dot_general3A_76 = tpu.matmul %slice3A_73, %slice3A_74, %dot_general3A_75 {dimension_numbers = #tpu.dot_dimension_numbers<[1], [1], [0], [0], [0, 0, 1, 0], [], []>, transpose_lhs_hint = false} : vector<1024x128xbf16>, vector<2048x128xbf16>, vector<1024x2048xf32> -> vector<1024x2048xf32>
    %mul3A_77 = arith.constant 0.0883883461 : f32
    %mul3A_78 = vector.broadcast %mul3A_77 : f32 to vector<1024x2048xf32>
    %mul3A_79 = arith.mulf %dot_general3A_76, %mul3A_78 : vector<1024x2048xf32>
    %exp3A_80 = math.exp %mul3A_79 : vector<1024x2048xf32>
    %jit3A_81 = arith.constant 0.000000e+00 : f32
    %broadcast_in_dim3A_82 = vector.broadcast %jit3A_81 : f32 to vector<1024x2048xf32>
    %select_n3A_83 = arith.select %le3A, %exp3A_80, %broadcast_in_dim3A_82 : vector<1024x2048xi1>, vector<1024x2048xf32>
    %reduce_sum3A_84 = arith.constant dense<0.000000e+00> : vector<1024xf32>
    %reduce_sum3A_85 = vector.multi_reduction <add>, %select_n3A_83, %reduce_sum3A_84 [1] : vector<1024x2048xf32> to vector<1024xf32>
    %broadcast_in_dim3A_86 = vector.shape_cast %reduce_sum3A_85 : vector<1024xf32> to vector<1024x1xf32>
    %div3A_87 = arith.constant 1.000000e+00 : f32
    %div3A_88 = vector.broadcast %div3A_87 : f32 to vector<1024x1xf32>
    %div3A_89 = arith.divf %div3A_88, %broadcast_in_dim3A_86 : vector<1024x1xf32>
    %mul3A_90 = vector.broadcast %div3A_89 : vector<1024x1xf32> to vector<1024x2048xf32>
    %mul3A_91 = arith.mulf %select_n3A_83, %mul3A_90 : vector<1024x2048xf32>
    %reduce_sum3A_92 = arith.constant dense<0.000000e+00> : vector<2048xf32>
    %reduce_sum3A_93 = vector.multi_reduction <add>, %mul3A_91, %reduce_sum3A_92 [0] : vector<1024x2048xf32> to vector<2048xf32>
    %broadcast_in_dim3A_94 = vector.shape_cast %reduce_sum3A_93 : vector<2048xf32> to vector<1x2048xf32>
    %add3A_95 = arith.addf %add3A_72, %broadcast_in_dim3A_94 : vector<1x2048xf32>
    %eq3A = arith.constant 0 : i32
    %eq3A_96 = arith.cmpi eq, %arg0, %eq3A : i32
    %eq3A_97 = arith.constant 0 : i32
    %eq3A_98 = arith.cmpi eq, %arg1, %eq3A_97 : i32
    %and3A = arith.andi %eq3A_96, %eq3A_98 : i1
    %convert_element_type3A = arith.extui %and3A : i1 to i32
    %cond3A = arith.constant 0 : i32
    %cond3A_99 = arith.cmpi ne, %convert_element_type3A, %cond3A : i32
    scf.if %cond3A_99 {
      %get3A_114 = arith.constant 0 : index
      %get3A_115 = arith.constant 0 : index
      %get3A_116 = vector.load %arg4[%get3A_114, %get3A_115] : memref<1x2048xf32, #tpu.memory_space<vmem>>, vector<1x2048xf32>
      %add3A_117 = arith.addf %get3A_116, %add3A_95 : vector<1x2048xf32>
      %swap3A = arith.constant 0 : index
      %swap3A_118 = arith.constant 0 : index
      %swap3A_119 = vector.load %arg5[%swap3A, %swap3A_118] : memref<1x2048xf32, #tpu.memory_space<vmem>>, vector<1x2048xf32>
      tpu.vector_store %arg5[%swap3A, %swap3A_118], %add3A_117 {strides = array<i32>} : memref<1x2048xf32, #tpu.memory_space<vmem>>, vector<1x2048xf32>,
    } else {
    }
    %gt3A = arith.constant 0 : i32
    %gt3A_100 = arith.cmpi sgt, %arg0, %gt3A : i32
    %gt3A_101 = arith.constant 0 : i32
    %gt3A_102 = arith.cmpi sgt, %arg1, %gt3A_101 : i32
    %or3A = arith.ori %gt3A_100, %gt3A_102 : i1
    %convert_element_type3A_103 = arith.extui %or3A : i1 to i32
    %cond3A_104 = arith.constant 0 : i32
    %cond3A_105 = arith.cmpi ne, %convert_element_type3A_103, %cond3A_104 : i32
    scf.if %cond3A_105 {
      %get3A_114 = arith.constant 0 : index
      %get3A_115 = arith.constant 0 : index
      %get3A_116 = vector.load %arg5[%get3A_114, %get3A_115] : memref<1x2048xf32, #tpu.memory_space<vmem>>, vector<1x2048xf32>
      %add3A_117 = arith.addf %get3A_116, %add3A_95 : vector<1x2048xf32>
      %swap3A = arith.constant 0 : index
      %swap3A_118 = arith.constant 0 : index
      %swap3A_119 = vector.load %arg5[%swap3A, %swap3A_118] : memref<1x2048xf32, #tpu.memory_space<vmem>>, vector<1x2048xf32>
      tpu.vector_store %arg5[%swap3A, %swap3A_118], %add3A_117 {strides = array<i32>} : memref<1x2048xf32, #tpu.memory_space<vmem>>, vector<1x2048xf32>,
    } else {
    }
    %eq3A_106 = arith.constant 3 : i32
    %eq3A_107 = arith.cmpi eq, %arg0, %eq3A_106 : i32
    %eq3A_108 = arith.constant 0 : i32
    %eq3A_109 = arith.cmpi eq, %arg1, %eq3A_108 : i32
    %and3A_110 = arith.andi %eq3A_107, %eq3A_109 : i1
    %convert_element_type3A_111 = arith.extui %and3A_110 : i1 to i32
    %cond3A_112 = arith.constant 0 : i32
    %cond3A_113 = arith.cmpi ne, %convert_element_type3A_111, %cond3A_112 : i32
    scf.if %cond3A_113 {
      %iota3A_114 = tpu.iota {dimensions = array<i32: 1>} : vector<1x2048xi32>
      %iota3A_115 = tpu.iota {dimensions = array<i32: 1>} : vector<1x128xi32>
      %broadcast_in_dim3A_116 = arith.constant 0 : i32
      %broadcast_in_dim3A_117 = vector.broadcast %broadcast_in_dim3A_116 : i32 to vector<1x128xi32>
      %get3A_118 = arith.constant 0 : index
      %get3A_119 = arith.constant 0 : index
      %get3A_120 = vector.load %arg5[%get3A_118, %get3A_119] : memref<1x2048xf32, #tpu.memory_space<vmem>>, vector<1x2048xf32>
      %scan3A = arith.constant 0 : i32
      %scan3A_121 = arith.constant 128 : i32
      %scan3A_122 = arith.addi %scan3A, %scan3A_121 : i32
      %scan3A_123 = arith.constant 1 : i32
      %scan3A_124:2 = scf.for %scan3A_128 = %scan3A to %scan3A_122 step %scan3A_123 iter_args(%scan3A_129 = %get3A_120, %scan3A_130 = %broadcast_in_dim3A_117) -> (vector<1x2048xf32>, vector<1x128xi32>)  : i32 {
        %reduce_max3A = vector.shape_cast %scan3A_129 : vector<1x2048xf32> to vector<1x1x2048xf32>
        %reduce_max3A_131 = arith.constant dense<0xFF800000> : vector<1xf32>
        %reduce_max3A_132 = vector.multi_reduction <maximumf>, %reduce_max3A, %reduce_max3A_131 [1, 2] : vector<1x1x2048xf32> to vector<1xf32>
        %reduce_max3A_133 = vector.shape_cast %reduce_max3A_132 : vector<1xf32> to vector<1x1x1xf32>
        %reduce_max3A_134 = vector.extract %reduce_max3A_133[0, 0, 0] : f32 from vector<1x1x1xf32>
        %eq3A_135 = vector.broadcast %reduce_max3A_134 : f32 to vector<1x2048xf32>
        %eq3A_136 = arith.cmpf oeq, %scan3A_129, %eq3A_135 : vector<1x2048xf32>
        %jit3A_137 = arith.constant 2048 : i32
        %broadcast_in_dim3A_138 = vector.broadcast %jit3A_137 : i32 to vector<1x2048xi32>
        %select_n3A_139 = arith.select %eq3A_136, %iota3A_114, %broadcast_in_dim3A_138 : vector<1x2048xi1>, vector<1x2048xi32>
        %reduce_min3A = vector.shape_cast %select_n3A_139 : vector<1x2048xi32> to vector<1x1x2048xi32>
        %reduce_min3A_140 = arith.constant dense<2147483647> : vector<1xi32>
        %reduce_min3A_141 = vector.multi_reduction <minsi>, %reduce_min3A, %reduce_min3A_140 [1, 2] : vector<1x1x2048xi32> to vector<1xi32>
        %reduce_min3A_142 = vector.shape_cast %reduce_min3A_141 : vector<1xi32> to vector<1x1x1xi32>
        %reduce_min3A_143 = vector.extract %reduce_min3A_142[0, 0, 0] : i32 from vector<1x1x1xi32>
        %eq3A_144 = vector.broadcast %scan3A_128 : i32 to vector<1x128xi32>
        %eq3A_145 = arith.cmpi eq, %iota3A_115, %eq3A_144 : vector<1x128xi32>
        %broadcast_in_dim3A_146 = vector.broadcast %reduce_min3A_143 : i32 to vector<1x128xi32>
        %select_n3A_147 = arith.select %eq3A_145, %broadcast_in_dim3A_146, %scan3A_130 : vector<1x128xi1>, vector<1x128xi32>
        %eq3A_148 = vector.broadcast %reduce_min3A_143 : i32 to vector<1x2048xi32>
        %eq3A_149 = arith.cmpi eq, %iota3A_114, %eq3A_148 : vector<1x2048xi32>
        %jit3A_150 = arith.constant 0xFF800000 : f32
        %broadcast_in_dim3A_151 = vector.broadcast %jit3A_150 : f32 to vector<1x2048xf32>
        %select_n3A_152 = arith.select %eq3A_149, %broadcast_in_dim3A_151, %scan3A_129 : vector<1x2048xi1>, vector<1x2048xf32>
        scf.yield %select_n3A_152, %select_n3A_147 : vector<1x2048xf32>, vector<1x128xi32>
      }
      %scan3A_125 = arith.constant 128 : i32
      %concatenate3A = tpu.concatenate %scan3A_124#1, %scan3A_124#1 in 1 : vector<1x128xi32>, vector<1x128xi32> -> vector<1x256xi32>
      %swap3A = arith.constant 0 : index
      %swap3A_126 = arith.constant 0 : index
      %swap3A_127 = vector.load %arg6[%swap3A, %swap3A_126] : memref<1x256xi32, #tpu.memory_space<vmem>>, vector<1x256xi32>
      tpu.vector_store %arg6[%swap3A, %swap3A_126], %concatenate3A {strides = array<i32>} : memref<1x256xi32, #tpu.memory_space<vmem>>, vector<1x256xi32>,
    } else {
    }
    return
  }
  func.func @transform_0(%arg0: i32, %arg1: i32) -> (i32, i32) {
    %add3A = arith.constant 1 : i32
    %add3A_0 = arith.addi %add3A, %arg1 : i32
    %c0_i32 = arith.constant 0 : i32
    return %add3A_0, %arg0 : i32, i32
  }
  func.func @transform_1(%arg0: i32, %arg1: i32) -> (i32, i32) {
    %c1_i32 = arith.constant 1 : i32
    %c0_i32 = arith.constant 0 : i32
    return %c1_i32, %arg0 : i32, i32
  }
  func.func @transform_2(%arg0: i32, %arg1: i32) -> (i32, i32) {
    %c0_i32 = arith.constant 0 : i32
    %c0_i32_0 = arith.constant 0 : i32
    %c0_i32_1 = arith.constant 0 : i32
    return %c0_i32, %c0_i32_0 : i32, i32
  }
  func.func @transform_3(%arg0: i32, %arg1: i32) -> (i32, i32) {
    %c0_i32 = arith.constant 0 : i32
    %c0_i32_0 = arith.constant 0 : i32
    %c0_i32_1 = arith.constant 0 : i32
    return %c0_i32, %c0_i32_0 : i32, i32
  }
  func.func @transform_4(%arg0: i32, %arg1: i32) -> (i32, i32) {
    %c0_i32 = arith.constant 0 : i32
    %c0_i32_0 = arith.constant 0 : i32
    %c0_i32_1 = arith.constant 0 : i32
    return %c0_i32, %c0_i32_0 : i32, i32
  }
}

module attributes {stable_mosaic.version = 14 : i64} {
  func.func @_qk_body(%arg0: i32, %arg1: memref<2048x2048xbf16, #tpu.memory_space<vmem>>, %arg2: memref<2048x512xf32, #tpu.memory_space<vmem>>, %arg3: memref<2048x512xf32, #tpu.memory_space<vmem>>, %arg4: memref<2048x512xbf16, #tpu.memory_space<vmem>>) attributes {dimension_semantics = [#tpu.dimension_semantics<arbitrary>], iteration_bounds = array<i64: 8>, scalar_prefetch = 0 : i64, scratch_operands = 0 : i64, tpu.core_type = #tpu.core_type<tc>, window_params = [{pipeline_mode = #tpu.pipeline_mode<synchronous>, transform_indices = @transform_0, window_bounds = array<i64: 2048, 2048>}, {transform_indices = @transform_1, window_bounds = array<i64: 2048, 512>}, {transform_indices = @transform_2, window_bounds = array<i64: 2048, 512>}, {transform_indices = @transform_3, window_bounds = array<i64: 2048, 512>}]} {
    %lt3A = arith.constant 4 : i32
    %lt3A_0 = arith.cmpi slt, %arg0, %lt3A : i32
    %convert_element_type3A = arith.extui %lt3A_0 : i1 to i32
    %cond3A = arith.constant 0 : i32
    %cond3A_1 = arith.cmpi ne, %convert_element_type3A, %cond3A : i32
    scf.if %cond3A_1 {
      %get3A = arith.constant 0 : index
      %get3A_6 = arith.constant 0 : index
      %get3A_7 = vector.load %arg1[%get3A, %get3A_6] : memref<2048x2048xbf16, #tpu.memory_space<vmem>>, vector<2048x2048xbf16>
      %get3A_8 = arith.constant 0 : index
      %get3A_9 = arith.constant 0 : index
      %get3A_10 = vector.load %arg2[%get3A_8, %get3A_9] : memref<2048x512xf32, #tpu.memory_space<vmem>>, vector<2048x512xf32>
      %convert_element_type3A_11 = arith.truncf %get3A_10 : vector<2048x512xf32> to vector<2048x512xbf16>
      %dot_general3A = arith.constant dense<0.000000e+00> : vector<2048x512xf32>
      %dot_general3A_12 = tpu.matmul %get3A_7, %convert_element_type3A_11, %dot_general3A {dimension_numbers = #tpu.dot_dimension_numbers<[1], [0], [0], [1], [0, 0, 1, 1], [], []>, transpose_lhs_hint = false} : vector<2048x2048xbf16>, vector<2048x512xbf16>, vector<2048x512xf32> -> vector<2048x512xf32>
      %convert_element_type3A_13 = arith.truncf %dot_general3A_12 : vector<2048x512xf32> to vector<2048x512xbf16>
      %swap3A = arith.constant 0 : index
      %swap3A_14 = arith.constant 0 : index
      %swap3A_15 = vector.load %arg4[%swap3A, %swap3A_14] : memref<2048x512xbf16, #tpu.memory_space<vmem>>, vector<2048x512xbf16>
      tpu.vector_store %arg4[%swap3A, %swap3A_14], %convert_element_type3A_13 {strides = array<i32>} : memref<2048x512xbf16, #tpu.memory_space<vmem>>, vector<2048x512xbf16>,
    } else {
    }
    %ge3A = arith.constant 4 : i32
    %ge3A_2 = arith.cmpi sge, %arg0, %ge3A : i32
    %convert_element_type3A_3 = arith.extui %ge3A_2 : i1 to i32
    %cond3A_4 = arith.constant 0 : i32
    %cond3A_5 = arith.cmpi ne, %convert_element_type3A_3, %cond3A_4 : i32
    scf.if %cond3A_5 {
      %get3A = arith.constant 0 : index
      %get3A_6 = arith.constant 0 : index
      %get3A_7 = vector.load %arg1[%get3A, %get3A_6] : memref<2048x2048xbf16, #tpu.memory_space<vmem>>, vector<2048x2048xbf16>
      %get3A_8 = arith.constant 0 : index
      %get3A_9 = arith.constant 0 : index
      %get3A_10 = vector.load %arg3[%get3A_8, %get3A_9] : memref<2048x512xf32, #tpu.memory_space<vmem>>, vector<2048x512xf32>
      %convert_element_type3A_11 = arith.truncf %get3A_10 : vector<2048x512xf32> to vector<2048x512xbf16>
      %dot_general3A = arith.constant dense<0.000000e+00> : vector<2048x512xf32>
      %dot_general3A_12 = tpu.matmul %get3A_7, %convert_element_type3A_11, %dot_general3A {dimension_numbers = #tpu.dot_dimension_numbers<[1], [0], [0], [1], [0, 0, 1, 1], [], []>, transpose_lhs_hint = false} : vector<2048x2048xbf16>, vector<2048x512xbf16>, vector<2048x512xf32> -> vector<2048x512xf32>
      %convert_element_type3A_13 = arith.truncf %dot_general3A_12 : vector<2048x512xf32> to vector<2048x512xbf16>
      %swap3A = arith.constant 0 : index
      %swap3A_14 = arith.constant 0 : index
      %swap3A_15 = vector.load %arg4[%swap3A, %swap3A_14] : memref<2048x512xbf16, #tpu.memory_space<vmem>>, vector<2048x512xbf16>
      tpu.vector_store %arg4[%swap3A, %swap3A_14], %convert_element_type3A_13 {strides = array<i32>} : memref<2048x512xbf16, #tpu.memory_space<vmem>>, vector<2048x512xbf16>,
    } else {
    }
    return
  }
  func.func @transform_0(%arg0: i32) -> (i32, i32) {
    %c0_i32 = arith.constant 0 : i32
    %c0_i32_0 = arith.constant 0 : i32
    %c0_i32_1 = arith.constant 0 : i32
    return %c0_i32, %c0_i32_0 : i32, i32
  }
  func.func @transform_1(%arg0: i32) -> (i32, i32) {
    %min3A = arith.constant 3 : i32
    %min3A_0 = arith.minsi %arg0, %min3A : i32
    %c0_i32 = arith.constant 0 : i32
    %c0_i32_1 = arith.constant 0 : i32
    return %c0_i32, %min3A_0 : i32, i32
  }
  func.func @transform_2(%arg0: i32) -> (i32, i32) {
    %sub3A = arith.constant 4 : i32
    %sub3A_0 = arith.subi %arg0, %sub3A : i32
    %jit3A = arith.constant 0 : i32
    %jit3A_1 = arith.constant 3 : i32
    %max3A = arith.maxsi %jit3A, %sub3A_0 : i32
    %min3A = arith.minsi %jit3A_1, %max3A : i32
    %c0_i32 = arith.constant 0 : i32
    %c0_i32_2 = arith.constant 0 : i32
    return %c0_i32, %min3A : i32, i32
  }
  func.func @transform_3(%arg0: i32) -> (i32, i32) {
    %jit3A = arith.constant 4 : i32
    %div3A = arith.divsi %arg0, %jit3A : i32
    %sign3A = arith.constant 0 : i32
    %sign3A_0 = arith.cmpi sgt, %arg0, %sign3A : i32
    %sign3A_1 = arith.extui %sign3A_0 : i1 to i32
    %sign3A_2 = arith.constant 0 : i32
    %sign3A_3 = arith.cmpi slt, %arg0, %sign3A_2 : i32
    %sign3A_4 = arith.extui %sign3A_3 : i1 to i32
    %sign3A_5 = arith.subi %sign3A_1, %sign3A_4 : i32
    %sign3A_6 = arith.constant 0 : i32
    %sign3A_7 = arith.cmpi sgt, %jit3A, %sign3A_6 : i32
    %sign3A_8 = arith.extui %sign3A_7 : i1 to i32
    %sign3A_9 = arith.constant 0 : i32
    %sign3A_10 = arith.cmpi slt, %jit3A, %sign3A_9 : i32
    %sign3A_11 = arith.extui %sign3A_10 : i1 to i32
    %sign3A_12 = arith.subi %sign3A_8, %sign3A_11 : i32
    %ne3A = arith.cmpi ne, %sign3A_5, %sign3A_12 : i32
    %rem3A = arith.remsi %arg0, %jit3A : i32
    %ne3A_13 = arith.constant 0 : i32
    %ne3A_14 = arith.cmpi ne, %rem3A, %ne3A_13 : i32
    %and3A = arith.andi %ne3A, %ne3A_14 : i1
    %sub3A = arith.constant 1 : i32
    %sub3A_15 = arith.subi %div3A, %sub3A : i32
    %select_n3A = arith.select %and3A, %sub3A_15, %div3A : i32
    %jit3A_16 = arith.constant 4 : i32
    %eq3A = arith.constant 0 : i32
    %eq3A_17 = arith.cmpi eq, %jit3A_16, %eq3A : i32
    %jit3A_18 = arith.constant 1 : i32
    %select_n3A_19 = arith.select %eq3A_17, %jit3A_18, %jit3A_16 : i32
    %rem3A_20 = arith.remsi %arg0, %select_n3A_19 : i32
    %ne3A_21 = arith.constant 0 : i32
    %ne3A_22 = arith.cmpi ne, %rem3A_20, %ne3A_21 : i32
    %lt3A = arith.constant 0 : i32
    %lt3A_23 = arith.cmpi slt, %rem3A_20, %lt3A : i32
    %lt3A_24 = arith.constant 0 : i32
    %lt3A_25 = arith.cmpi slt, %select_n3A_19, %lt3A_24 : i32
    %ne3A_26 = arith.xori %lt3A_23, %lt3A_25 : i1
    %and3A_27 = arith.andi %ne3A_26, %ne3A_22 : i1
    %add3A = arith.addi %rem3A_20, %select_n3A_19 : i32
    %select_n3A_28 = arith.select %and3A_27, %add3A, %rem3A_20 : i32
    %c0_i32 = arith.constant 0 : i32
    return %select_n3A, %select_n3A_28 : i32, i32
  }
}

module attributes {stable_mosaic.version = 14 : i64} {
  func.func @_pruned_body(%arg0: i32, %arg1: memref<2048x256xbf16, #tpu.memory_space<vmem>>, %arg2: memref<128x2048xf32, #tpu.memory_space<vmem>>, %arg3: memref<2048x256xf32, #tpu.memory_space<vmem>>, %arg4: memref<2048x256xf32, #tpu.memory_space<vmem>>, %arg5: memref<2048x2048xbf16, #tpu.memory_space<vmem>>, %arg6: memref<2x2048x128xf32, #tpu.memory_space<vmem>>, %arg7: memref<2048x2048xf32, #tpu.memory_space<vmem>>, %arg8: memref<2x128x128xf32, #tpu.memory_space<vmem>>, %arg9: memref<2x128x128xf32, #tpu.memory_space<vmem>>, %arg10: memref<2048x2048xbf16, #tpu.memory_space<vmem>>) attributes {dimension_semantics = [#tpu.dimension_semantics<arbitrary>], iteration_bounds = array<i64: 8>, scalar_prefetch = 0 : i64, scratch_operands = 1 : i64, tpu.core_type = #tpu.core_type<tc>, window_params = [{transform_indices = @transform_0, window_bounds = array<i64: 2048, 256>}, {transform_indices = @transform_1, window_bounds = array<i64: 128, 2048>}, {transform_indices = @transform_2, window_bounds = array<i64: 2048, 256>}, {transform_indices = @transform_3, window_bounds = array<i64: 2048, 256>}, {pipeline_mode = #tpu.pipeline_mode<synchronous>, transform_indices = @transform_4, window_bounds = array<i64: 2048, 2048>}, {transform_indices = @transform_5, window_bounds = array<i64: 2, 2048, 128>}, {pipeline_mode = #tpu.pipeline_mode<synchronous>, transform_indices = @transform_6, window_bounds = array<i64: 2048, 2048>}, {transform_indices = @transform_7, window_bounds = array<i64: 2, 128, 128>}, {transform_indices = @transform_8, window_bounds = array<i64: 2, 128, 128>}]} {
    %get3A = arith.constant 0 : index
    %get3A_0 = arith.constant 0 : index
    %get3A_1 = vector.load %arg2[%get3A, %get3A_0] : memref<128x2048xf32, #tpu.memory_space<vmem>>, vector<128x2048xf32>
    %convert_element_type3A = arith.truncf %get3A_1 : vector<128x2048xf32> to vector<128x2048xbf16>
    %get3A_2 = arith.constant 0 : index
    %get3A_3 = arith.constant 0 : index
    %get3A_4 = vector.load %arg3[%get3A_2, %get3A_3] : memref<2048x256xf32, #tpu.memory_space<vmem>>, vector<2048x128xf32>
    %convert_element_type3A_5 = arith.truncf %get3A_4 : vector<2048x128xf32> to vector<2048x128xbf16>
    %dot_general3A = arith.constant dense<0.000000e+00> : vector<128x128xf32>
    %dot_general3A_6 = tpu.matmul %convert_element_type3A, %convert_element_type3A_5, %dot_general3A {dimension_numbers = #tpu.dot_dimension_numbers<[1], [0], [0], [1], [0, 0, 1, 1], [], []>, transpose_lhs_hint = false} : vector<128x2048xbf16>, vector<2048x128xbf16>, vector<128x128xf32> -> vector<128x128xf32>
    %get3A_7 = arith.constant 0 : index
    %get3A_8 = arith.constant 0 : index
    %get3A_9 = vector.load %arg4[%get3A_7, %get3A_8] : memref<2048x256xf32, #tpu.memory_space<vmem>>, vector<2048x128xf32>
    %convert_element_type3A_10 = arith.truncf %get3A_9 : vector<2048x128xf32> to vector<2048x128xbf16>
    %dot_general3A_11 = arith.constant dense<0.000000e+00> : vector<128x128xf32>
    %dot_general3A_12 = tpu.matmul %convert_element_type3A, %convert_element_type3A_10, %dot_general3A_11 {dimension_numbers = #tpu.dot_dimension_numbers<[1], [0], [0], [1], [0, 0, 1, 1], [], []>, transpose_lhs_hint = false} : vector<128x2048xbf16>, vector<2048x128xbf16>, vector<128x128xf32> -> vector<128x128xf32>
    %swap3A = arith.constant 0 : index
    %swap3A_13 = arith.constant 0 : index
    %swap3A_14 = arith.constant 0 : index
    %swap3A_15 = vector.load %arg8[%swap3A, %swap3A_13, %swap3A_14] : memref<2x128x128xf32, #tpu.memory_space<vmem>>, vector<1x128x128xf32>
    %swap3A_16 = vector.shape_cast %swap3A_15 : vector<1x128x128xf32> to vector<128x128xf32>
    %swap3A_17 = vector.shape_cast %dot_general3A_6 : vector<128x128xf32> to vector<1x128x128xf32>
    tpu.vector_store %arg8[%swap3A, %swap3A_13, %swap3A_14], %swap3A_17 {strides = array<i32>} : memref<2x128x128xf32, #tpu.memory_space<vmem>>, vector<1x128x128xf32>,
    %swap3A_18 = arith.constant 0 : index
    %swap3A_19 = arith.constant 0 : index
    %swap3A_20 = arith.constant 0 : index
    %swap3A_21 = vector.load %arg9[%swap3A_18, %swap3A_19, %swap3A_20] : memref<2x128x128xf32, #tpu.memory_space<vmem>>, vector<1x128x128xf32>
    %swap3A_22 = vector.shape_cast %swap3A_21 : vector<1x128x128xf32> to vector<128x128xf32>
    %swap3A_23 = vector.shape_cast %dot_general3A_12 : vector<128x128xf32> to vector<1x128x128xf32>
    tpu.vector_store %arg9[%swap3A_18, %swap3A_19, %swap3A_20], %swap3A_23 {strides = array<i32>} : memref<2x128x128xf32, #tpu.memory_space<vmem>>, vector<1x128x128xf32>,
    %get3A_24 = arith.constant 0 : index
    %get3A_25 = arith.constant 0 : index
    %get3A_26 = vector.load %arg1[%get3A_24, %get3A_25] : memref<2048x256xbf16, #tpu.memory_space<vmem>>, vector<2048x128xbf16>
    %convert_element_type3A_27 = arith.truncf %dot_general3A_6 : vector<128x128xf32> to vector<128x128xbf16>
    %dot_general3A_28 = arith.constant dense<0.000000e+00> : vector<2048x128xf32>
    %dot_general3A_29 = tpu.matmul %get3A_26, %convert_element_type3A_27, %dot_general3A_28 {dimension_numbers = #tpu.dot_dimension_numbers<[1], [1], [0], [0], [0, 0, 1, 0], [], []>, transpose_lhs_hint = false} : vector<2048x128xbf16>, vector<128x128xbf16>, vector<2048x128xf32> -> vector<2048x128xf32>
    %mul3A = arith.constant 0.0883883461 : f32
    %mul3A_30 = vector.broadcast %mul3A : f32 to vector<2048x128xf32>
    %mul3A_31 = arith.mulf %dot_general3A_29, %mul3A_30 : vector<2048x128xf32>
    %exp3A = math.exp %mul3A_31 : vector<2048x128xf32>
    %reduce_sum3A = arith.constant dense<0.000000e+00> : vector<2048xf32>
    %reduce_sum3A_32 = vector.multi_reduction <add>, %exp3A, %reduce_sum3A [1] : vector<2048x128xf32> to vector<2048xf32>
    %broadcast_in_dim3A = vector.shape_cast %reduce_sum3A_32 : vector<2048xf32> to vector<2048x1xf32>
    %div3A = arith.constant 1.000000e+00 : f32
    %div3A_33 = vector.broadcast %div3A : f32 to vector<2048x1xf32>
    %div3A_34 = arith.divf %div3A_33, %broadcast_in_dim3A : vector<2048x1xf32>
    %mul3A_35 = vector.broadcast %div3A_34 : vector<2048x1xf32> to vector<2048x128xf32>
    %mul3A_36 = arith.mulf %exp3A, %mul3A_35 : vector<2048x128xf32>
    %swap3A_37 = arith.constant 0 : index
    %swap3A_38 = arith.constant 0 : index
    %swap3A_39 = arith.constant 0 : index
    %swap3A_40 = vector.load %arg6[%swap3A_37, %swap3A_38, %swap3A_39] : memref<2x2048x128xf32, #tpu.memory_space<vmem>>, vector<1x2048x128xf32>
    %swap3A_41 = vector.shape_cast %swap3A_40 : vector<1x2048x128xf32> to vector<2048x128xf32>
    %swap3A_42 = vector.shape_cast %mul3A_36 : vector<2048x128xf32> to vector<1x2048x128xf32>
    tpu.vector_store %arg6[%swap3A_37, %swap3A_38, %swap3A_39], %swap3A_42 {strides = array<i32>} : memref<2x2048x128xf32, #tpu.memory_space<vmem>>, vector<1x2048x128xf32>,
    %convert_element_type3A_43 = arith.truncf %mul3A_36 : vector<2048x128xf32> to vector<2048x128xbf16>
    %convert_element_type3A_44 = arith.truncf %dot_general3A_12 : vector<128x128xf32> to vector<128x128xbf16>
    %dot_general3A_45 = arith.constant dense<0.000000e+00> : vector<2048x128xf32>
    %dot_general3A_46 = tpu.matmul %convert_element_type3A_43, %convert_element_type3A_44, %dot_general3A_45 {dimension_numbers = #tpu.dot_dimension_numbers<[1], [0], [0], [1], [0, 0, 1, 1], [], []>, transpose_lhs_hint = false} : vector<2048x128xbf16>, vector<128x128xbf16>, vector<2048x128xf32> -> vector<2048x128xf32>
    %convert_element_type3A_47 = arith.truncf %dot_general3A_46 : vector<2048x128xf32> to vector<2048x128xbf16>
    %mul3A_48 = arith.constant 2 : i32
    %mul3A_49 = arith.muli %mul3A_48, %arg0 : i32
    %add3A = arith.constant 0 : i32
    %add3A_50 = arith.addi %mul3A_49, %add3A : i32
    %mul3A_51 = arith.constant 128 : i32
    %mul3A_52 = arith.muli %add3A_50, %mul3A_51 : i32
    %swap3A_53 = arith.constant 0 : index
    %swap3A_54 = arith.index_cast %mul3A_52 : i32 to index
    %swap3A_55 = vector.load %arg10[%swap3A_53, %swap3A_54] : memref<2048x2048xbf16, #tpu.memory_space<vmem>>, vector<2048x128xbf16>
    tpu.vector_store %arg10[%swap3A_53, %swap3A_54], %convert_element_type3A_47 {strides = array<i32>} : memref<2048x2048xbf16, #tpu.memory_space<vmem>>, vector<2048x128xbf16>,
    %get3A_56 = arith.constant 0 : index
    %get3A_57 = arith.constant 128 : index
    %get3A_58 = vector.load %arg3[%get3A_56, %get3A_57] : memref<2048x256xf32, #tpu.memory_space<vmem>>, vector<2048x128xf32>
    %convert_element_type3A_59 = arith.truncf %get3A_58 : vector<2048x128xf32> to vector<2048x128xbf16>
    %dot_general3A_60 = arith.constant dense<0.000000e+00> : vector<128x128xf32>
    %dot_general3A_61 = tpu.matmul %convert_element_type3A, %convert_element_type3A_59, %dot_general3A_60 {dimension_numbers = #tpu.dot_dimension_numbers<[1], [0], [0], [1], [0, 0, 1, 1], [], []>, transpose_lhs_hint = false} : vector<128x2048xbf16>, vector<2048x128xbf16>, vector<128x128xf32> -> vector<128x128xf32>
    %get3A_62 = arith.constant 0 : index
    %get3A_63 = arith.constant 128 : index
    %get3A_64 = vector.load %arg4[%get3A_62, %get3A_63] : memref<2048x256xf32, #tpu.memory_space<vmem>>, vector<2048x128xf32>
    %convert_element_type3A_65 = arith.truncf %get3A_64 : vector<2048x128xf32> to vector<2048x128xbf16>
    %dot_general3A_66 = arith.constant dense<0.000000e+00> : vector<128x128xf32>
    %dot_general3A_67 = tpu.matmul %convert_element_type3A, %convert_element_type3A_65, %dot_general3A_66 {dimension_numbers = #tpu.dot_dimension_numbers<[1], [0], [0], [1], [0, 0, 1, 1], [], []>, transpose_lhs_hint = false} : vector<128x2048xbf16>, vector<2048x128xbf16>, vector<128x128xf32> -> vector<128x128xf32>
    %swap3A_68 = arith.constant 1 : index
    %swap3A_69 = arith.constant 0 : index
    %swap3A_70 = arith.constant 0 : index
    %swap3A_71 = vector.load %arg8[%swap3A_68, %swap3A_69, %swap3A_70] : memref<2x128x128xf32, #tpu.memory_space<vmem>>, vector<1x128x128xf32>
    %swap3A_72 = vector.shape_cast %swap3A_71 : vector<1x128x128xf32> to vector<128x128xf32>
    %swap3A_73 = vector.shape_cast %dot_general3A_61 : vector<128x128xf32> to vector<1x128x128xf32>
    tpu.vector_store %arg8[%swap3A_68, %swap3A_69, %swap3A_70], %swap3A_73 {strides = array<i32>} : memref<2x128x128xf32, #tpu.memory_space<vmem>>, vector<1x128x128xf32>,
    %swap3A_74 = arith.constant 1 : index
    %swap3A_75 = arith.constant 0 : index
    %swap3A_76 = arith.constant 0 : index
    %swap3A_77 = vector.load %arg9[%swap3A_74, %swap3A_75, %swap3A_76] : memref<2x128x128xf32, #tpu.memory_space<vmem>>, vector<1x128x128xf32>
    %swap3A_78 = vector.shape_cast %swap3A_77 : vector<1x128x128xf32> to vector<128x128xf32>
    %swap3A_79 = vector.shape_cast %dot_general3A_67 : vector<128x128xf32> to vector<1x128x128xf32>
    tpu.vector_store %arg9[%swap3A_74, %swap3A_75, %swap3A_76], %swap3A_79 {strides = array<i32>} : memref<2x128x128xf32, #tpu.memory_space<vmem>>, vector<1x128x128xf32>,
    %get3A_80 = arith.constant 0 : index
    %get3A_81 = arith.constant 128 : index
    %get3A_82 = vector.load %arg1[%get3A_80, %get3A_81] : memref<2048x256xbf16, #tpu.memory_space<vmem>>, vector<2048x128xbf16>
    %convert_element_type3A_83 = arith.truncf %dot_general3A_61 : vector<128x128xf32> to vector<128x128xbf16>
    %dot_general3A_84 = arith.constant dense<0.000000e+00> : vector<2048x128xf32>
    %dot_general3A_85 = tpu.matmul %get3A_82, %convert_element_type3A_83, %dot_general3A_84 {dimension_numbers = #tpu.dot_dimension_numbers<[1], [1], [0], [0], [0, 0, 1, 0], [], []>, transpose_lhs_hint = false} : vector<2048x128xbf16>, vector<128x128xbf16>, vector<2048x128xf32> -> vector<2048x128xf32>
    %mul3A_86 = arith.constant 0.0883883461 : f32
    %mul3A_87 = vector.broadcast %mul3A_86 : f32 to vector<2048x128xf32>
    %mul3A_88 = arith.mulf %dot_general3A_85, %mul3A_87 : vector<2048x128xf32>
    %exp3A_89 = math.exp %mul3A_88 : vector<2048x128xf32>
    %reduce_sum3A_90 = arith.constant dense<0.000000e+00> : vector<2048xf32>
    %reduce_sum3A_91 = vector.multi_reduction <add>, %exp3A_89, %reduce_sum3A_90 [1] : vector<2048x128xf32> to vector<2048xf32>
    %broadcast_in_dim3A_92 = vector.shape_cast %reduce_sum3A_91 : vector<2048xf32> to vector<2048x1xf32>
    %div3A_93 = arith.constant 1.000000e+00 : f32
    %div3A_94 = vector.broadcast %div3A_93 : f32 to vector<2048x1xf32>
    %div3A_95 = arith.divf %div3A_94, %broadcast_in_dim3A_92 : vector<2048x1xf32>
    %mul3A_96 = vector.broadcast %div3A_95 : vector<2048x1xf32> to vector<2048x128xf32>
    %mul3A_97 = arith.mulf %exp3A_89, %mul3A_96 : vector<2048x128xf32>
    %swap3A_98 = arith.constant 1 : index
    %swap3A_99 = arith.constant 0 : index
    %swap3A_100 = arith.constant 0 : index
    %swap3A_101 = vector.load %arg6[%swap3A_98, %swap3A_99, %swap3A_100] : memref<2x2048x128xf32, #tpu.memory_space<vmem>>, vector<1x2048x128xf32>
    %swap3A_102 = vector.shape_cast %swap3A_101 : vector<1x2048x128xf32> to vector<2048x128xf32>
    %swap3A_103 = vector.shape_cast %mul3A_97 : vector<2048x128xf32> to vector<1x2048x128xf32>
    tpu.vector_store %arg6[%swap3A_98, %swap3A_99, %swap3A_100], %swap3A_103 {strides = array<i32>} : memref<2x2048x128xf32, #tpu.memory_space<vmem>>, vector<1x2048x128xf32>,
    %convert_element_type3A_104 = arith.truncf %mul3A_97 : vector<2048x128xf32> to vector<2048x128xbf16>
    %convert_element_type3A_105 = arith.truncf %dot_general3A_67 : vector<128x128xf32> to vector<128x128xbf16>
    %dot_general3A_106 = arith.constant dense<0.000000e+00> : vector<2048x128xf32>
    %dot_general3A_107 = tpu.matmul %convert_element_type3A_104, %convert_element_type3A_105, %dot_general3A_106 {dimension_numbers = #tpu.dot_dimension_numbers<[1], [0], [0], [1], [0, 0, 1, 1], [], []>, transpose_lhs_hint = false} : vector<2048x128xbf16>, vector<128x128xbf16>, vector<2048x128xf32> -> vector<2048x128xf32>
    %convert_element_type3A_108 = arith.truncf %dot_general3A_107 : vector<2048x128xf32> to vector<2048x128xbf16>
    %mul3A_109 = arith.constant 2 : i32
    %mul3A_110 = arith.muli %mul3A_109, %arg0 : i32
    %add3A_111 = arith.constant 1 : i32
    %add3A_112 = arith.addi %mul3A_110, %add3A_111 : i32
    %mul3A_113 = arith.constant 128 : i32
    %mul3A_114 = arith.muli %add3A_112, %mul3A_113 : i32
    %swap3A_115 = arith.constant 0 : index
    %swap3A_116 = arith.index_cast %mul3A_114 : i32 to index
    %swap3A_117 = vector.load %arg10[%swap3A_115, %swap3A_116] : memref<2048x2048xbf16, #tpu.memory_space<vmem>>, vector<2048x128xbf16>
    tpu.vector_store %arg10[%swap3A_115, %swap3A_116], %convert_element_type3A_108 {strides = array<i32>} : memref<2048x2048xbf16, #tpu.memory_space<vmem>>, vector<2048x128xbf16>,
    %eq3A = arith.constant 7 : i32
    %eq3A_118 = arith.cmpi eq, %arg0, %eq3A : i32
    %convert_element_type3A_119 = arith.extui %eq3A_118 : i1 to i32
    %cond3A = arith.constant 0 : i32
    %cond3A_120 = arith.cmpi ne, %convert_element_type3A_119, %cond3A : i32
    scf.if %cond3A_120 {
      %get3A_121 = arith.constant 0 : index
      %get3A_122 = arith.constant 0 : index
      %get3A_123 = vector.load %arg10[%get3A_121, %get3A_122] : memref<2048x2048xbf16, #tpu.memory_space<vmem>>, vector<2048x2048xbf16>
      %get3A_124 = arith.constant 0 : index
      %get3A_125 = arith.constant 0 : index
      %get3A_126 = vector.load %arg5[%get3A_124, %get3A_125] : memref<2048x2048xbf16, #tpu.memory_space<vmem>>, vector<2048x2048xbf16>
      %dot_general3A_127 = arith.constant dense<0.000000e+00> : vector<2048x2048xf32>
      %dot_general3A_128 = tpu.matmul %get3A_123, %get3A_126, %dot_general3A_127 {dimension_numbers = #tpu.dot_dimension_numbers<[1], [0], [0], [1], [0, 0, 1, 1], [], []>, transpose_lhs_hint = false} : vector<2048x2048xbf16>, vector<2048x2048xbf16>, vector<2048x2048xf32> -> vector<2048x2048xf32>
      %swap3A_129 = arith.constant 0 : index
      %swap3A_130 = arith.constant 0 : index
      %swap3A_131 = vector.load %arg7[%swap3A_129, %swap3A_130] : memref<2048x2048xf32, #tpu.memory_space<vmem>>, vector<2048x2048xf32>
      tpu.vector_store %arg7[%swap3A_129, %swap3A_130], %dot_general3A_128 {strides = array<i32>} : memref<2048x2048xf32, #tpu.memory_space<vmem>>, vector<2048x2048xf32>,
    } else {
    }
    return
  }
  func.func @transform_0(%arg0: i32) -> (i32, i32) {
    %c0_i32 = arith.constant 0 : i32
    %c0_i32_0 = arith.constant 0 : i32
    return %c0_i32, %arg0 : i32, i32
  }
  func.func @transform_1(%arg0: i32) -> (i32, i32) {
    %c0_i32 = arith.constant 0 : i32
    %c0_i32_0 = arith.constant 0 : i32
    %c0_i32_1 = arith.constant 0 : i32
    return %c0_i32, %c0_i32_0 : i32, i32
  }
  func.func @transform_2(%arg0: i32) -> (i32, i32) {
    %c0_i32 = arith.constant 0 : i32
    %c0_i32_0 = arith.constant 0 : i32
    return %c0_i32, %arg0 : i32, i32
  }
  func.func @transform_3(%arg0: i32) -> (i32, i32) {
    %c0_i32 = arith.constant 0 : i32
    %c0_i32_0 = arith.constant 0 : i32
    return %c0_i32, %arg0 : i32, i32
  }
  func.func @transform_4(%arg0: i32) -> (i32, i32) {
    %c0_i32 = arith.constant 0 : i32
    %c0_i32_0 = arith.constant 0 : i32
    %c0_i32_1 = arith.constant 0 : i32
    return %c0_i32, %c0_i32_0 : i32, i32
  }
  func.func @transform_5(%arg0: i32) -> (i32, i32, i32) {
    %c0_i32 = arith.constant 0 : i32
    %c0_i32_0 = arith.constant 0 : i32
    %c0_i32_1 = arith.constant 0 : i32
    return %arg0, %c0_i32, %c0_i32_0 : i32, i32, i32
  }
  func.func @transform_6(%arg0: i32) -> (i32, i32) {
    %c0_i32 = arith.constant 0 : i32
    %c0_i32_0 = arith.constant 0 : i32
    %c0_i32_1 = arith.constant 0 : i32
    return %c0_i32, %c0_i32_0 : i32, i32
  }
  func.func @transform_7(%arg0: i32) -> (i32, i32, i32) {
    %c0_i32 = arith.constant 0 : i32
    %c0_i32_0 = arith.constant 0 : i32
    %c0_i32_1 = arith.constant 0 : i32
    return %arg0, %c0_i32, %c0_i32_0 : i32, i32, i32
  }
  func.func @transform_8(%arg0: i32) -> (i32, i32, i32) {
    %c0_i32 = arith.constant 0 : i32
    %c0_i32_0 = arith.constant 0 : i32
    %c0_i32_1 = arith.constant 0 : i32
    return %arg0, %c0_i32, %c0_i32_0 : i32, i32, i32
  }
}

</mosaic_0001>

<sc_bundles>
// kernel: kernel.7.cloned.1.call-start
scs
__scs_entry_jumppad:
0x0: {  	(pc) =	sbr.rel $0x88, $3  }
0x1: {  	(tag) =	ssettag $0x0;
	lr =	simm.s32 $0x1  }
0x2: {  	[smem:$0x3F9C] =	sst lr;
	_ =	strace $0xD0000000  }
0x3: {  	_ = 	snop  }
0x4: {  	_ = 	snop  }
0x5: {  	_ = 	snop  }
0x6: {  	_ = 	snop  }
0x7: {  	_ = 	snop  }
__scs_overlays_trampoline_lowered:
0x8: {  	[smem:$0x3FAB] =	sst s0  }
0x9: {  	[smem:$0x3FAC] =	sst s1  }
0xa: {  	[smem:$0x3FAD] =	sst s2  }
0xb: {  	[smem:$0x3FAE] =	sst s3  }
0xc: {  	[smem:$0x3FAF] =	sst s4  }
0xd: {  	[smem:$0x3FB0] =	sst s5  }
0xe: {  	[smem:$0x3FB1] =	sst s6  }
0xf: {  	[smem:$0x3FB2] =	sst s7  }
0x10: {  	[smem:$0x3FB3] =	sst s8  }
0x11: {  	[smem:$0x3FB4] =	sst s9;
	s0 =	simm.s32 @!p0 $0x0  }
0x12: {  	s1 =	sld [smem:$0x3F9A];
	s0 =	simm.s32 @p0 $0x1  }
0x13: {  	[smem:$0x3FB5] =	sst s0;
	s0 =	simm.s32 @!p1 $0x0  }
0x14: {  	s2 =	sld [smem:$0x3F99];
	s0 =	simm.s32 @p1 $0x1  }
0x15: {  	[smem:$0x3FB6] =	sst s0;
	s0 =	simm.s32 @!p2 $0x0  }
0x16: {  	s3 =	sld [smem:$0x3FDB];
	s0 =	simm.s32 @p2 $0x1  }
0x17: {  	s4 =	simm.s32 $0x1BF5;
	[smem:$0x3FB8] =	sst s0  }
0x18: {  	s0 =	sld [smem:$0x3F9B];
	_ =	swait.ge [sflag:s4], $0x0  }
0x19: {  	s7 =	sld [smem:$0x3F9C]  }
0x1a: {  	s8 =	sadd.s32 $0xFFFFE003, lr  }
0x1b: {  	s9 =	sadd.s32 $0xFFFFFEF7, lr;
	s5 =	simm.s32 $0xFFFFFFFF;
	p2 =	slt.u32 s8, $0xFFFFF086  }
0x1c: {  	p1 =	slt.u32 s9, $0xF7A;
	s5 =	simm.s32 @!p2 $0x0  }
0x1d: {  	s5 =	simm.s32 @p1 $0x1;
	p0 =	seq.s32 s7, s2  }
0x1e: {  	s7 =	smul.u32 @!p0 $0xF7A, s2;
	p2 =	seq.s32 @!p0 s5, $0x0  }
0x1f: {  	s9 =	smul.u32 $0xF7A, s1;
	s8 =	simm.s32 @!p0 $0x1BF5;
	p2 =	por !p2, p0  }
0x20: {  	[sflag:s8] =	ssyncset.s32 @!p0 $0xFFFFF086;
	s6 =	sadd.s32 @!p0 s3, s7;
	s7 =	simm.s32 @!p0 $0x108  }
0x21: {  	s3 =	sadd.s32 s3, s9;
	s6 =	sadd.s32 @!p0 $0x88, s6;
	s7 =	simm.s32 @p2 $0x1082  }
0x22: {  	[simem:s7], [sflag:s8] =	dma.local @!p0 [hbm:s6], $0xF7A  }
0x23: {  	s9 =	sor.u32 $0xD0000000, s2;
	s6 =	simm.s32 $0x108;
	_ =	swait.ge @!p0 [sflag:s8], $0x0  }
0x24: {  	s3 =	sadd.s32 $0x88, s3;
	s6 =	simm.s32 @!p1 $0x1082;
	[sflag:s4] =	ssyncset.s32 $0xFFFFF086  }
0x25: {  	[simem:s6], [sflag:s4] =	dma.local [hbm:s3], $0xF7A  }
0x26: {  	[smem:$0x3F9C] =	sst s1;
	(tag) =	ssettag s2;
	_ =	strace s9  }
0x27: {  	s1 =	sld [smem:$0x3FAC]  }
0x28: {  	s2 =	sld [smem:$0x3FAD]  }
0x29: {  	s4 =	sld [smem:$0x3FAF]  }
0x2a: {  	p0 =	seq.s32 s5, $0x0;
	s5 =	sld [smem:$0x3FB0]  }
0x2b: {  	s6 =	sld [smem:$0x3FB1]  }
0x2c: {  	s7 =	sld [smem:$0x3FB2]  }
0x2d: {  	s3 =	simm.s32 $0x108;
	s8 =	sld [smem:$0x3FB3]  }
0x2e: {  	s3 =	simm.s32 @!p0 $0x1082;
	s9 =	sld [smem:$0x3FB4]  }
0x2f: {  	lr =	sadd.s32 s0, s3;
	s0 =	sld [smem:$0x3FAB]  }
0x30: {  	s3 =	sld [smem:$0x3FAE]  }
0x31: {  	[smem:$0x3FB7] =	sst s10  }
0x32: {  	s10 =	sld [smem:$0x3FB5];
	_ =	sdelay $0x3  }
0x33: {  	p0 =	seq.s32 s10, $0x1;
	s10 =	sld [smem:$0x3FB7];
	_ =	sdelay $0x3  }
0x34: {  	[smem:$0x3FB7] =	sst s10  }
0x35: {  	s10 =	sld [smem:$0x3FB6];
	_ =	sdelay $0x3  }
0x36: {  	p1 =	seq.s32 s10, $0x1;
	s10 =	sld [smem:$0x3FB7];
	_ =	sdelay $0x3  }
0x37: {  	[smem:$0x3FB7] =	sst s10  }
0x38: {  	s10 =	sld [smem:$0x3FB8]  }
0x39: {  	_ = 	snop;
	(pc) =	sbr.ind lr, $3  }
0x3a: {  	_ = 	snop  }
0x3b: {  	_ = 	snop  }
0x3c: {  	p2 =	seq.s32 s10, $0x1;
	s10 =	sld [smem:$0x3FB7]  }
0x3d: {  	_ =	shalt  }
0x3e: {  	_ =	shalt  }
0x3f: {  	_ =	shalt  }
0x40: {  	_ =	shalt  }
0x41: {  	_ =	shalt  }
0x42: {  	_ =	shalt  }
0x43: {  	_ =	shalt  }
0x44: {  	_ =	shalt  }
0x45: {  	_ =	shalt  }
0x46: {  	_ =	shalt  }
0x47: {  	_ =	shalt  }
0x48: {  	_ =	shalt  }
0x49: {  	_ =	shalt  }
0x4a: {  	_ =	shalt  }
0x4b: {  	_ =	shalt  }
0x4c: {  	_ =	shalt  }
0x4d: {  	_ =	shalt  }
0x4e: {  	_ =	shalt  }
0x4f: {  	_ =	shalt  }
0x50: {  	_ =	shalt  }
0x51: {  	_ =	shalt  }
0x52: {  	_ =	shalt  }
0x53: {  	_ =	shalt  }
0x54: {  	_ =	shalt  }
0x55: {  	_ =	shalt  }
0x56: {  	_ =	shalt  }
0x57: {  	_ =	shalt  }
0x58: {  	_ =	shalt  }
0x59: {  	_ =	shalt  }
0x5a: {  	_ =	shalt  }
0x5b: {  	_ =	shalt  }
0x5c: {  	_ =	shalt  }
0x5d: {  	_ =	shalt  }
0x5e: {  	_ =	shalt  }
0x5f: {  	_ =	shalt  }
0x60: {  	_ =	shalt  }
0x61: {  	_ =	shalt  }
0x62: {  	_ =	shalt  }
0x63: {  	_ =	shalt  }
0x64: {  	_ =	shalt  }
0x65: {  	_ =	shalt  }
0x66: {  	_ =	shalt  }
0x67: {  	_ =	shalt  }
0x68: {  	_ =	shalt  }
0x69: {  	_ =	shalt  }
0x6a: {  	_ =	shalt  }
0x6b: {  	_ =	shalt  }
0x6c: {  	_ =	shalt  }
0x6d: {  	_ =	shalt  }
0x6e: {  	_ =	shalt  }
0x6f: {  	_ =	shalt  }
0x70: {  	_ =	shalt  }
0x71: {  	_ =	shalt  }
0x72: {  	_ =	shalt  }
0x73: {  	_ =	shalt  }
0x74: {  	_ =	shalt  }
0x75: {  	_ =	shalt  }
0x76: {  	_ =	shalt  }
0x77: {  	_ =	shalt  }
0x78: {  	_ =	shalt  }
0x79: {  	_ =	shalt  }
0x7a: {  	_ =	shalt  }
0x7b: {  	_ =	shalt  }
0x7c: {  	_ =	shalt  }
0x7d: {  	_ =	shalt  }
0x7e: {  	_ =	shalt  }
0x7f: {  	_ =	shalt  }
0x80: {  	_ =	shalt  }
0x81: {  	_ =	shalt  }
0x82: {  	_ =	shalt  }
0x83: {  	_ =	shalt  }
0x84: {  	_ =	shalt  }
0x85: {  	_ =	shalt  }
0x86: {  	_ =	shalt  }
0x87: {  	_ =	shalt  }
.Lfunc_end0:
.L_simem_size_0:
called_computation_lowered:
.L_overlay_start_0:
0x88: {  	s2 =	sld [smem:$0x3FD9]  }
0x89: {  	s3 =	sld [smem:$0x3FFE];
	_ =	sdelay $0x1  }
0x8a: {  	s1 =	srdreg.scid  }
0x8b: {  	s0 =	sand.u32 $0x1, s1  }
0x8c: {  	s14 =	sshll.u32 s0, $0xA;
	s2 =	sadd.s32 s3, s2  }
0x8d: {  	s2 =	sadd.s32 s2, s14  }
0x8e: {  	[smem:$0x3FC3] =	sst s2  }
0x8f: {  	_ = 	snop  }
0x90: {  	s2 =	sld [smem:$0x3FD0];
	_ =	sdelay $0x2  }
0x91: {  	s4 =	simm.s32 $0xA;
	s5 =	simm.s32 $0x10;
	s15 =	sld [smem:$0x3FC9]  }
0x92: {  	[smem:s5], [sflag:s4] =	dma.local [hbm:s2], $0x1  }
0x93: {  	_ =	swait.eq [sflag:s4], $0x1  }
0x94: {  	[sflag:s4] =	ssyncset.done $0x0  }
0x95: {  	[sflag:s4] =	ssyncadd.s32 $0xFFFFFFFF  }
0x96: {  	s16 =	sld [smem:$0x10];
	(tm) =	ssettm $0x1  }
0x97: {  	s17 =	sld [smem:$0x3FFB];
	_ =	sdelay $0x3  }
0x98: {  	_ =	strace s17  }
0x99: {  	s4 =	sld [smem:$0x3FFC];
	_ =	sdelay $0x3  }
0x9a: {  	_ =	strace s4  }
0x9b: {  	s4 =	sld [smem:$0x3FFD];
	_ =	sdelay $0x3  }
0x9c: {  	_ =	strace s4  }
0x9d: {  	_ =	strace $0x8FFFFFFF  }
0x9e: {  	s18 =	sld [smem:$0x3FDB];
	_ =	sdelay $0x1  }
0x9f: {  	s19 =	simm.s32 $_scs_section_size  }
0xa0: {  	s6 =	simm.s32 $_size__tile_overlayer_lowered;
	s7 =	simm.s32 $_tile_overlayer_lowered  }
0xa1: {  	s22 =	simm.s32 $0x1BFF;
	s21 =	sshll.u32 s7, $0x1;
	s4 =	sadd.s32 s19, s18  }
0xa2: {  	s8 =	simm.s32 $0x0;
	s20 =	sshll.u32 s6, $0x1;
	s6 =	sadd.s32 s21, s4  }
0xa3: {  	[timem:s8], [sflag:s22] =	dma.local [hbm:s6], s20  }
0xa4: {  	_ =	swait.ge [sflag:s22], s20  }
0xa5: {  	s5 =	ssub.s32 $0x0, s20;
	[sflag:s22] =	ssyncset.done $0x0  }
0xa6: {  	[sflag:s22] =	ssyncadd.s32 s5;
	_ =	sdelay $0x1  }
0xa7: {  	s23 =	simm.s32 $0x1B8B  }
0xa8: {  	_ =	swait.ge [sflag:s23], $0x1  }
0xa9: {  	[sflag:s23] =	ssyncset.done $0x0  }
0xaa: {  	s25 =	simm.s32 $0x1B8E;
	s24 =	sld [smem:$0x3FFE];
	[sflag:s23] =	ssyncadd.s32 $0xFFFFFFFF  }
0xab: {  	s26 =	simm.s32 $execute0_lowered;
	[smem:$0x3FD2] =	sst s25  }
0xac: {  	s6 =	sshll.u32 s26, $0x1;
	_ =	strace $0x80000046;
	[dreg:$0x1] =	wrdreg $0xFFFFFFFF  }
0xad: {  	s28 =	simm.s32 $_size_execute0_lowered;
	s4 =	sadd.s32 s4, s6;
	[dreg:$0x0] =	wrdreg $0x0  }
0xae: {  	s6 =	sshll.u32 s28, $0x1;
	[dreg:$0x2] =	wrdreg s4  }
0xaf: {  	[dreg:$0x3] =	wrdreg s6  }
0xb0: {  	[dreg:$0x4] =	wrdreg $0xC0  }
0xb1: {  	_ =	task [dreg:s8], $0x5FFFF  }
0xb2: {  	[dreg:$0x1] =	wrdreg $0xFFFFFFFF  }
0xb3: {  	[dreg:$0x0] =	wrdreg $0x60  }
0xb4: {  	[dreg:$0x2] =	wrdreg s15  }
0xb5: {  	[dreg:$0x3] =	wrdreg s16  }
0xb6: {  	[dreg:$0x4] =	wrdreg s24  }
0xb7: {  	[dreg:$0x5] =	wrdreg $0x9  }
0xb8: {  	_ =	task.clear_ibuf [dreg:s8], $0x6FFFF;
	_ =	strace $0x90000046  }
0xb9: {  	s29 =	simm.s32 $0x9;
	_ =	strace $0x80000048  }
0xba: {  	_ =	swait.ge [sflag:s29], $0x1  }
0xbb: {  	[sflag:s29] =	ssyncadd.s32 $0xFFFFFFFF  }
0xbc: {  	_ =	strace $0x90000048  }
0xbd: {  	_ =	sfence  }
0xbe: {  	s30 =	sld [smem:$0x0];
	_ =	sdelay $0x2  }
0xbf: {  	s31 =	sshll.u32 s1, $0xD;
	s1 =	sshrl.u32 s1, $0x2  }
0xc0: {  	s3 =	sand.u32 $0x4000, s31;
	s1 =	sadd.s32 s1, s30  }
0xc1: {  	s0 =	sor.u32 s3, s0;
	s1 =	sshll.u32 s1, $0x11  }
0xc2: {  	s0 =	sor.u32 s1, s0  }
0xc3: {  	s0 =	sadd.s32 $0x8F2B, s0  }
0xc4: {  	[sflag:s0] =	ssyncadd.remote.s32 $0x1  }
0xc5: {  	_ =	sfence.sel $0xFFFF  }
0xc6: {  	[dreg:$0x0] =	wrdreg $0xFFFFFFFF;
	(pc) =	sbr.abs _section_cstart, $3  }
0xc7: {  	[dreg:$0x1] =	wrdreg $0xFFFFFFFF  }
0xc8: {  	_ =	task.clear_ibuf [dreg:s8], $0x2FFFF;
	_ =	strace $0x9FFFFFFF  }
0xc9: {  	(tm) =	ssettm $0x7FFFFFFF  }
tec
execute0_lowered:
.L_overlay_start_1:
0x0: {  	(tag) =	ssettag $0x1  }
0x1: {  	s1 =	rddreg [dreg:$0x0];
	s2 =	srdreg.scid  }
0x2: {  	s4 =	rddreg [dreg:$0x1];
	s0 =	stileid.u32;
	s17 =	sand.u32 $0x1, s2  }
0x3: {  	s22 =	rddreg [dreg:$0x2];
	s5 =	sshll.u32 s0, $0x4;
	s6 =	sshll.u32 s17, $0x3  }
0x4: {  	s3 =	simm.s32 $0x0;
	s2 =	rddreg [dreg:$0x3];
	s23 =	sor.u32 s6, s5  }
0x5: {  	[smem:$0x7FF] =	sst s3;
	s5 =	sshrl.u32 s23, $0x3  }
0x6: {  	_ =	strace $0x80000047;
	s5 =	sadd.s32 s4, s5;
	s4 =	simm.s32 $0x2  }
0x7: {  	[tilespmem:s3], [sflag:$0x2] =	stream.linear.gather [hbm4b:s5+s3], $0x8, $0x38;
	[tilespmem:$0x4080] =	vst v63  }
0x8: {  	_ =	swait.ge [sflag:s4], $0x8  }
0x9: {  	[sflag:s4] =	ssyncset.done $0x0  }
0xa: {  	[sflag:s4] =	ssyncadd.s32 $0xFFFFFFF8  }
0xb: {  	v0 =	vld.msk [tilespmem:$0x0], $0xff;
	_ =	sdelay $0x4  }
0xc: {  	v1 =	vshll.u32 v0, $0x4  }
0xd: {  	v2 =	vlaneseq.u32;
	v3 =	vand.u32 $0x7, v0;
	v1 =	vand.u32 $0xFFFFFF80, v1  }
0xe: {  	v0 =	vand.u32 $0x7, v2;
	v2 =	vshrl.u32 v2, $0x3;
	v3 =	vor.u32 v3, v1  }
0xf: {  	v1 =	vmul.u32 $0x8, v2;
	v2 =	vperm.xlane v3, v0;
	_ =	sdelay $0x1  }
0x10: {  	v2 =	vadd.s32 v1, v2;
	_ =	sdelay $0x3  }
0x11: {  	vm0 =	vmmov $0xffff;
	s6 =	simm.s32 $0x80  }
0x12: {  	[tilespmem:s6], [sflag:$0x1] =	stream.indirect_vreg.gather [hbm4b:s1+s3], $0x80, v2, vm0, $0xb8;
	[tilespmem:$0x4080] =	vst v63  }
0x13: {  	s8 =	simm.s32 $0x880;
	s10 =	simm.s32 $0x1080;
	s7 =	sadd.s32 $0x100, s1  }
0x14: {  	[tilespmem:s8], [sflag:$0x1] =	stream.indirect_vreg.gather [hbm4b:s7+s3], $0x80, v2, vm0, $0xb8;
	[tilespmem:$0x4080] =	vst v63  }
0x15: {  	s12 =	simm.s32 $0x1880;
	s14 =	simm.s32 $0x2080;
	s9 =	sadd.s32 $0x200, s1  }
0x16: {  	[tilespmem:s10], [sflag:$0x1] =	stream.indirect_vreg.gather [hbm4b:s9+s3], $0x80, v2, vm0, $0xb8;
	[tilespmem:$0x4080] =	vst v63  }
0x17: {  	s16 =	simm.s32 $0x2880;
	s18 =	simm.s32 $0x3080;
	s11 =	sadd.s32 $0x300, s1  }
0x18: {  	[tilespmem:s12], [sflag:$0x1] =	stream.indirect_vreg.gather [hbm4b:s11+s3], $0x80, v2, vm0, $0xb8;
	[tilespmem:$0x4080] =	vst v63  }
0x19: {  	s20 =	simm.s32 $0x3880;
	s13 =	sadd.s32 $0x400, s1;
	s24 =	ssub.s32 $0x2, s17  }
0x1a: {  	[tilespmem:s14], [sflag:$0x1] =	stream.indirect_vreg.gather [hbm4b:s13+s3], $0x80, v2, vm0, $0xb8;
	[tilespmem:$0x4080] =	vst v63  }
0x1b: {  	s21 =	simm.s32 $0x1;
	s15 =	sadd.s32 $0x500, s1;
	s25 =	sshrl.u32 s24, $0x1  }
0x1c: {  	[tilespmem:s16], [sflag:$0x1] =	stream.indirect_vreg.gather [hbm4b:s15+s3], $0x80, v2, vm0, $0xb8;
	[tilespmem:$0x4080] =	vst v63  }
0x1d: {  	s17 =	sadd.s32 $0x600, s1;
	s23 =	sshll.u32 s23, $0x8;
	s31 =	ssub.s32 s24, s25  }
0x1e: {  	[tilespmem:s18], [sflag:$0x1] =	stream.indirect_vreg.gather [hbm4b:s17+s3], $0x80, v2, vm0, $0xb8;
	[tilespmem:$0x4080] =	vst v63  }
0x1f: {  	s19 =	sadd.s32 $0x700, s1;
	s22 =	sadd.s32 s23, s22;
	s23 =	smax.u32 s31, $0x1  }
0x20: {  	[tilespmem:s20], [sflag:$0x1] =	stream.indirect_vreg.gather [hbm4b:s19+s3], $0x80, v2, vm0, $0xb8;
	[tilespmem:$0x4080] =	vst v63  }
0x21: {  	p0 =	sne.s32 s23, $0x1;
	_ =	swait.ge [sflag:s21], $0x4000  }
.Ltmp0:
0x22: {  	[sflag:s21] =	ssyncset.done $0x0;
	(pc) =	sbr.rel @!p0 .LBB2_2-.Ltmp0, $4  }
0x23: {  	s22 =	sadd.s32 $0x80800, s22;
	[sflag:s21] =	ssyncadd.s32 $0xFFFFC000  }
0x24: {  	[hbm4b:s22+s3] =	stream.linear.scatter [tilespmem:s6], [sflag:$0x2], $0x4000, $0x38;
	[tilespmem:$0x4080] =	vst v63  }
0x25: {  	_ =	swait.ge [sflag:s4], $0x4000  }
0x26: {  	s23 =	sadd.s32 $0xFFFFFFFF, s23;
	[sflag:s4] =	ssyncset.done $0x0  }
.LBB2_1:
0x27: {  	p0 =	sne.s32 s23, $0x1;
	s23 =	sadd.s32 $0xFFFFFFFF, s23;
	[sflag:s4] =	ssyncadd.s32 $0xFFFFC000  }
0x28: {  	[tilespmem:s3], [sflag:$0x2] =	stream.linear.gather [hbm4b:s5+s3], $0x8, $0x38;
	[tilespmem:$0x4080] =	vst v63  }
0x29: {  	_ =	swait.ge [sflag:s4], $0x8  }
0x2a: {  	[sflag:s4] =	ssyncset.done $0x0  }
0x2b: {  	[sflag:s4] =	ssyncadd.s32 $0xFFFFFFF8  }
0x2c: {  	v2 =	vld.msk [tilespmem:$0x0], $0xff;
	_ =	sdelay $0x4  }
0x2d: {  	v3 =	vshll.u32 v2, $0x4  }
0x2e: {  	v2 =	vand.u32 $0x7, v2;
	v3 =	vand.u32 $0xFFFFFF80, v3  }
0x2f: {  	v2 =	vor.u32 v2, v3  }
0x30: {  	v2 =	vperm.xlane v2, v0;
	_ =	sdelay $0x1  }
0x31: {  	v2 =	vadd.s32 v1, v2;
	_ =	sdelay $0x4  }
0x32: {  	[tilespmem:s6], [sflag:$0x1] =	stream.indirect_vreg.gather [hbm4b:s1+s3], $0x80, v2, vm0, $0xb8;
	[tilespmem:$0x4080] =	vst v63  }
0x33: {  	_ = 	snop  }
0x34: {  	[tilespmem:s8], [sflag:$0x1] =	stream.indirect_vreg.gather [hbm4b:s7+s3], $0x80, v2, vm0, $0xb8;
	[tilespmem:$0x4080] =	vst v63  }
0x35: {  	_ = 	snop  }
0x36: {  	[tilespmem:s10], [sflag:$0x1] =	stream.indirect_vreg.gather [hbm4b:s9+s3], $0x80, v2, vm0, $0xb8;
	[tilespmem:$0x4080] =	vst v63  }
0x37: {  	_ = 	snop  }
0x38: {  	[tilespmem:s12], [sflag:$0x1] =	stream.indirect_vreg.gather [hbm4b:s11+s3], $0x80, v2, vm0, $0xb8;
	[tilespmem:$0x4080] =	vst v63  }
0x39: {  	_ = 	snop  }
0x3a: {  	[tilespmem:s14], [sflag:$0x1] =	stream.indirect_vreg.gather [hbm4b:s13+s3], $0x80, v2, vm0, $0xb8;
	[tilespmem:$0x4080] =	vst v63  }
0x3b: {  	_ = 	snop  }
0x3c: {  	[tilespmem:s16], [sflag:$0x1] =	stream.indirect_vreg.gather [hbm4b:s15+s3], $0x80, v2, vm0, $0xb8;
	[tilespmem:$0x4080] =	vst v63  }
0x3d: {  	_ = 	snop  }
0x3e: {  	[tilespmem:s18], [sflag:$0x1] =	stream.indirect_vreg.gather [hbm4b:s17+s3], $0x80, v2, vm0, $0xb8;
	[tilespmem:$0x4080] =	vst v63  }
0x3f: {  	_ = 	snop  }
0x40: {  	[tilespmem:s20], [sflag:$0x1] =	stream.indirect_vreg.gather [hbm4b:s19+s3], $0x80, v2, vm0, $0xb8;
	[tilespmem:$0x4080] =	vst v63  }
0x41: {  	_ =	swait.ge [sflag:s21], $0x4000  }
.Ltmp1:
0x42: {  	[sflag:s21] =	ssyncset.done $0x0;
	(pc) =	sbr.rel @p0 .LBB2_1-.Ltmp1, $4  }
0x43: {  	[sflag:s21] =	ssyncadd.s32 $0xFFFFC000  }
0x44: {  	[hbm4b:s22+s3] =	stream.linear.scatter [tilespmem:s6], [sflag:$0x2], $0x4000, $0x38;
	[tilespmem:$0x4080] =	vst v63  }
0x45: {  	_ =	swait.ge [sflag:s4], $0x4000  }
0x46: {  	[sflag:s4] =	ssyncset.done $0x0  }
.LBB2_2:
0x47: {  	[sflag:s4] =	ssyncadd.s32 $0xFFFFC000  }
0x48: {  	_ =	sfence.sel $0x180000  }
0x49: {  	[bflag:$0x0] =	sbarrier.arrive $0xFFFF  }
0x4a: {  	p0 =	sne.s32 s0, $0x0;
	_ =	strace $0x90000047  }
0x4b: {  	s0 =	sadd.s32 @!p0 $0x100000, s2;
	[bflag:$0x2] =	sbarrier.arrive $0xFFFF  }
0x4c: {  	[sflag:s0] =	ssyncadd.tile.s32 @!p0 $0x1;
	_ =	shalt  }
.Lfunc_end2:
_tile_overlayer_lowered:
.L_overlay_start_2:
0x4d: {  	(tag) =	ssettag $0x2  }
0x4e: {  	s0 =	rddreg [dreg:$0x0];
	s2 =	stileid.u32  }
0x4f: {  	s1 =	rddreg [dreg:$0x1];
	p0 =	sne.s32 s2, $0x0  }
0x50: {  	s3 =	rddreg [dreg:$0x2];
	[bflag:$0x3] =	sbarrier.arrive $0xFFFF;
	s2 =	simm.s32 @!p0 $0x1C02  }
0x51: {  	[timem:s3], [sflag:s2] =	dma.local @!p0 [hbm:s0], s1  }
0x52: {  	s0 =	simm.s32 @!p0 $0x2  }
0x53: {  	_ =	swait.ge @!p0 [sflag:s0], s1  }
0x54: {  	s1 =	ssub.s32 @!p0 $0x0, s1;
	[sflag:s0] =	ssyncset.done @!p0 $0x0  }
0x55: {  	[sflag:s0] =	ssyncadd.s32 @!p0 s1  }
0x56: {  	[bflag:$0x3] =	sbarrier.arrive $0xFFFF  }
0x57: {  	_ =	shalt  }

</sc_bundles>
